<compile_context>
chip_gen: v7x
topology: tpu7x:2x2x1
jax: 0.10.2.dev20260603
libtpu: 0.0.44.dev20260713+nightly
codegen_flags: <defaults>
</compile_context>

<pallas_src>
import functools
import jax
import jax.numpy as jnp
from jax import lax
from jax.experimental import pallas as pl
from jax.experimental.pallas import tpu as pltpu
from jax.experimental.pallas import tpu_sc as plsc

D = 64
D_PAD = 128
SCALE = 8.0

NC = 2
NS = 16
NW = NC * NS
BATCH = 4096
SEQ = 200
SEQ_PAD = 256
ROWS_W = BATCH // NW
SPLIT = (128, 72)
NBUF = 4


def _emb_body(x_hbm, w_hbm, out_hbm, idx_v, rows_v, gsem, wsem):
    wid = lax.axis_index("s") * NC + lax.axis_index("c")
    b0 = wid * ROWS_W
    pltpu.sync_copy(x_hbm.at[pl.ds(b0, ROWS_W)], idx_v)

    def fire_gathers(i, p):
        off = 0
        for n in SPLIT:
            pltpu.async_copy(
                w_hbm.at[idx_v.at[i, pl.ds(off, n)]],
                rows_v.at[p, pl.ds(off, n)],
                gsem.at[p])
            off += n

    def drain_gathers(i, p):
        pltpu.make_async_copy(out_hbm.at[b0 + i, :, pl.ds(0, D)],
                              rows_v.at[p], gsem.at[p]).wait()

    def fire_wb(i, p):
        pltpu.async_copy(rows_v.at[p], out_hbm.at[b0 + i, :, pl.ds(0, D)],
                         wsem.at[p])

    def wait_wb(i, p):
        pltpu.make_async_copy(out_hbm.at[b0 + i, :, pl.ds(0, D)],
                              rows_v.at[p], wsem.at[p]).wait()

    def scale_buf(p):
        def rows2(i, _):
            for u in range(2):
                for j in range(D // 16):
                    sl = pl.ds(j * 16, 16)
                    rows_v[p, i * 2 + u, sl] = rows_v[p, i * 2 + u, sl] * SCALE
            return 0
        lax.fori_loop(0, SEQ // 2, rows2, 0)

    for r in range(NBUF - 1):
        fire_gathers(r, r)

    def step(t, _):
        for r in range(NBUF):
            g = t * NBUF + r
            drain_gathers(g, r)
            scale_buf(r)
            gn = g + NBUF - 1
            q = (r + NBUF - 1) % NBUF

            @pl.when(gn < ROWS_W)
            def _fire_ahead():
                @pl.when(g >= 1)
                def _wait_prev_wb():
                    wait_wb(g - 1, q)
                fire_gathers(gn, q)

            fire_wb(g, r)
        return 0

    lax.fori_loop(0, ROWS_W // NBUF, step, 0)

    for k in range(NBUF):
        gg = ROWS_W - NBUF + k
        wait_wb(gg, gg % NBUF)


@functools.partial(jax.jit, static_argnames=())
def kernel(x, W):
    x_pad = jnp.pad(x.astype(jnp.int32), ((0, 0), (0, SEQ_PAD - SEQ)))
    mesh = plsc.VectorSubcoreMesh(core_axis_name="c", subcore_axis_name="s")
    out = pl.kernel(
        _emb_body,
        mesh=mesh,
        compiler_params=pltpu.CompilerParams(use_tc_tiling_on_sc=False),
        out_type=jax.ShapeDtypeStruct((BATCH, SEQ, D_PAD), jnp.float32),
        scratch_types=[
            pltpu.VMEM((ROWS_W, SEQ_PAD), jnp.int32),
            pltpu.VMEM((NBUF, SEQ, D), jnp.float32),
            pltpu.SemaphoreType.DMA((NBUF,)),
            pltpu.SemaphoreType.DMA((NBUF,)),
        ],
    )(x_pad, W)
    return out[:, :, :D]

# --- scband reference (transcript-rebuilt; emitter-appended) ---
"""Pipeline reference for scband-token-embedding-2413771620958 (READ-ONLY COPY).

The authoritative reference and input builder live on the scoring server;
editing this copy changes nothing except your own understanding.
"""

import jax, jax.numpy as jnp
import numpy as np
import math

VOCAB = 1000000
D_MODEL = 64
BATCH = 4096
SEQ = 200

def setup_inputs(seed: int = 0) -> dict:
    key = jax.random.key(seed)
    k1, k2 = jax.random.split(key)
    x = jax.random.randint(k1, (BATCH, SEQ), 0, VOCAB, dtype=jnp.int64 if jax.config.jax_enable_x64 else jnp.int32)
    W = jax.random.normal(k2, (VOCAB, D_MODEL), dtype=jnp.float32)
    return {"x": x, "W": W}

def reference(x, W):
    # Embedding lookup (gather) followed by sqrt(d_model) scaling.
    emb = jnp.take(W, x, axis=0)  # (BATCH, SEQ, D_MODEL)
    return emb * math.sqrt(D_MODEL)

if __name__ == "__main__":
    import jax
    _d = setup_inputs()
    print(jax.jit(kernel)(*tuple(_d.values())))

</pallas_src>

<mosaic_0001>
#map = affine_map<(d0, d1) -> (0, 0)>
#map1 = affine_map<(d0, d1) -> (0, 0, 0)>
module attributes {stable_mosaic.version = 14 : i64} {
  func.func @_emb_body(%arg0: i32, %arg1: i32, %arg2: memref<4096x256xi32, #tpu.memory_space<hbm>>, %arg3: memref<1000000x64xf32, #tpu.memory_space<hbm>>, %arg4: memref<4096x200x128xf32, #tpu.memory_space<hbm>>, %arg5: memref<128x256xi32, #tpu.memory_space<vmem>>, %arg6: memref<4x200x64xf32, #tpu.memory_space<vmem>>, %arg7: memref<4x!tpu.dma_semaphore, #tpu.memory_space<semaphore_mem>>, %arg8: memref<4x!tpu.dma_semaphore, #tpu.memory_space<semaphore_mem>>) attributes {dimension_semantics = [#tpu.dimension_semantics<core_parallel>, #tpu.dimension_semantics<subcore_parallel>], iteration_bounds = array<i64: 2, 16>, scalar_prefetch = 0 : i64, scratch_operands = 4 : i64, tpu.core_type = #tpu.core_type<sc_vector_subcore>, window_params = [{transform_indices = #map}, {transform_indices = #map}, {transform_indices = #map1}]} {
    %mul3A = arith.constant 2 : i32
    %mul3A_0 = arith.muli %arg1, %mul3A : i32
    %add3A = arith.addi %mul3A_0, %arg0 : i32
    %mul3A_1 = arith.constant 128 : i32
    %mul3A_2 = arith.muli %add3A, %mul3A_1 : i32
    "tpu.region"() ({
      %run_scoped3A = tpu.sem_alloc : memref<!tpu.dma_semaphore, #tpu.memory_space<semaphore_mem>>
      %dma_start3A_185 = arith.constant 0 : i32
      %dma_start3A_186 = tpu.memref_slice %arg2[%mul3A_2, %dma_start3A_185] : memref<4096x256xi32, #tpu.memory_space<hbm>> -> memref<128x256xi32, #tpu.memory_space<hbm>>
      %dma_start3A_187 = arith.constant 0 : i32
      %dma_start3A_188 = tpu.memref_slice %arg2[%mul3A_2, %dma_start3A_187] : memref<4096x256xi32, #tpu.memory_space<hbm>> -> memref<128x256xi32, #tpu.memory_space<hbm>>
      tpu.enqueue_dma source(%dma_start3A_188 : memref<128x256xi32, #tpu.memory_space<hbm>>) target(%arg5 : memref<128x256xi32, #tpu.memory_space<vmem>>) target_semaphore(%run_scoped3A : memref<!tpu.dma_semaphore, #tpu.memory_space<semaphore_mem>>)
      %dma_wait3A_189 = arith.constant 0 : i32
      %dma_wait3A_190 = tpu.memref_slice %arg2[%mul3A_2, %dma_wait3A_189] : memref<4096x256xi32, #tpu.memory_space<hbm>> -> memref<128x256xi32, #tpu.memory_space<hbm>>
      %dma_wait3A_191 = arith.constant 0 : i32
      %dma_wait3A_192 = tpu.memref_slice %arg2[%mul3A_2, %dma_wait3A_191] : memref<4096x256xi32, #tpu.memory_space<hbm>> -> memref<128x256xi32, #tpu.memory_space<hbm>>
      tpu.wait_dma2 semaphore(%run_scoped3A : memref<!tpu.dma_semaphore, #tpu.memory_space<semaphore_mem>>) src(%dma_wait3A_192 : memref<128x256xi32, #tpu.memory_space<hbm>>) dst(%arg5 : memref<128x256xi32, #tpu.memory_space<vmem>>)
      tpu.yield
    }) : () -> ()
    %dma_start3A = arith.constant 0 : i32
    %dma_start3A_3 = arith.constant 0 : i32
    %dma_start3A_4 = arith.constant 0 : i32
    %dma_start3A_5 = arith.constant 0 : i32
    %dma_start3A_6 = arith.constant 0 : i32
    %dma_start3A_7 = tpu.memref_slice %arg6[%dma_start3A_3, %dma_start3A_5, %dma_start3A_6] : memref<4x200x64xf32, #tpu.memory_space<vmem>> -> memref<1x128x64xf32, #tpu.memory_space<vmem>>
    %dma_start3A_8 = tpu.memref_squeeze %dma_start3A_7 : memref<1x128x64xf32, #tpu.memory_space<vmem>> -> memref<128x64xf32, #tpu.memory_space<vmem>>
    %dma_start3A_9 = arith.constant 0 : i32
    %dma_start3A_10 = tpu.memref_slice %arg5[%dma_start3A, %dma_start3A_9] : memref<128x256xi32, #tpu.memory_space<vmem>> -> memref<1x128xi32, #tpu.memory_space<vmem>>
    %dma_start3A_11 = tpu.memref_squeeze %dma_start3A_10 : memref<1x128xi32, #tpu.memory_space<vmem>> -> memref<128xi32, #tpu.memory_space<vmem>>
    %dma_start3A_12 = arith.constant 0 : i32
    %dma_start3A_13 = arith.constant 0 : i32
    %dma_start3A_14 = tpu.memref_slice %arg3[%dma_start3A_12, %dma_start3A_13] : memref<1000000x64xf32, #tpu.memory_space<hbm>> -> memref<1000000x64xf32, #tpu.memory_space<hbm>>
    %dma_start3A_15 = tpu.memref_slice %arg7[%dma_start3A_4] : memref<4x!tpu.dma_semaphore, #tpu.memory_space<semaphore_mem>> -> memref<1x!tpu.dma_semaphore, #tpu.memory_space<semaphore_mem>>
    %dma_start3A_16 = tpu.memref_squeeze %dma_start3A_15 : memref<1x!tpu.dma_semaphore, #tpu.memory_space<semaphore_mem>> -> memref<!tpu.dma_semaphore, #tpu.memory_space<semaphore_mem>>
    tpu.enqueue_indirect_dma source(%dma_start3A_14 : memref<1000000x64xf32, #tpu.memory_space<hbm>>) target(%dma_start3A_8 : memref<128x64xf32, #tpu.memory_space<vmem>>) offsets(%dma_start3A_11 : memref<128xi32, #tpu.memory_space<vmem>>) semaphore(%dma_start3A_16 : memref<!tpu.dma_semaphore, #tpu.memory_space<semaphore_mem>>)
    %dma_start3A_17 = arith.constant 0 : i32
    %dma_start3A_18 = arith.constant 0 : i32
    %dma_start3A_19 = arith.constant 0 : i32
    %dma_start3A_20 = arith.constant 128 : i32
    %dma_start3A_21 = arith.constant 0 : i32
    %dma_start3A_22 = tpu.memref_slice %arg6[%dma_start3A_18, %dma_start3A_20, %dma_start3A_21] : memref<4x200x64xf32, #tpu.memory_space<vmem>> -> memref<1x72x64xf32, #tpu.memory_space<vmem>>
    %dma_start3A_23 = tpu.memref_squeeze %dma_start3A_22 : memref<1x72x64xf32, #tpu.memory_space<vmem>> -> memref<72x64xf32, #tpu.memory_space<vmem>>
    %dma_start3A_24 = arith.constant 128 : i32
    %dma_start3A_25 = tpu.memref_slice %arg5[%dma_start3A_17, %dma_start3A_24] : memref<128x256xi32, #tpu.memory_space<vmem>> -> memref<1x72xi32, #tpu.memory_space<vmem>>
    %dma_start3A_26 = tpu.memref_squeeze %dma_start3A_25 : memref<1x72xi32, #tpu.memory_space<vmem>> -> memref<72xi32, #tpu.memory_space<vmem>>
    %dma_start3A_27 = arith.constant 0 : i32
    %dma_start3A_28 = arith.constant 0 : i32
    %dma_start3A_29 = tpu.memref_slice %arg3[%dma_start3A_27, %dma_start3A_28] : memref<1000000x64xf32, #tpu.memory_space<hbm>> -> memref<1000000x64xf32, #tpu.memory_space<hbm>>
    %dma_start3A_30 = tpu.memref_slice %arg7[%dma_start3A_19] : memref<4x!tpu.dma_semaphore, #tpu.memory_space<semaphore_mem>> -> memref<1x!tpu.dma_semaphore, #tpu.memory_space<semaphore_mem>>
    %dma_start3A_31 = tpu.memref_squeeze %dma_start3A_30 : memref<1x!tpu.dma_semaphore, #tpu.memory_space<semaphore_mem>> -> memref<!tpu.dma_semaphore, #tpu.memory_space<semaphore_mem>>
    tpu.enqueue_indirect_dma source(%dma_start3A_29 : memref<1000000x64xf32, #tpu.memory_space<hbm>>) target(%dma_start3A_23 : memref<72x64xf32, #tpu.memory_space<vmem>>) offsets(%dma_start3A_26 : memref<72xi32, #tpu.memory_space<vmem>>) semaphore(%dma_start3A_31 : memref<!tpu.dma_semaphore, #tpu.memory_space<semaphore_mem>>)
    %dma_start3A_32 = arith.constant 1 : i32
    %dma_start3A_33 = arith.constant 1 : i32
    %dma_start3A_34 = arith.constant 1 : i32
    %dma_start3A_35 = arith.constant 0 : i32
    %dma_start3A_36 = arith.constant 0 : i32
    %dma_start3A_37 = tpu.memref_slice %arg6[%dma_start3A_33, %dma_start3A_35, %dma_start3A_36] : memref<4x200x64xf32, #tpu.memory_space<vmem>> -> memref<1x128x64xf32, #tpu.memory_space<vmem>>
    %dma_start3A_38 = tpu.memref_squeeze %dma_start3A_37 : memref<1x128x64xf32, #tpu.memory_space<vmem>> -> memref<128x64xf32, #tpu.memory_space<vmem>>
    %dma_start3A_39 = arith.constant 0 : i32
    %dma_start3A_40 = tpu.memref_slice %arg5[%dma_start3A_32, %dma_start3A_39] : memref<128x256xi32, #tpu.memory_space<vmem>> -> memref<1x128xi32, #tpu.memory_space<vmem>>
    %dma_start3A_41 = tpu.memref_squeeze %dma_start3A_40 : memref<1x128xi32, #tpu.memory_space<vmem>> -> memref<128xi32, #tpu.memory_space<vmem>>
    %dma_start3A_42 = arith.constant 0 : i32
    %dma_start3A_43 = arith.constant 0 : i32
    %dma_start3A_44 = tpu.memref_slice %arg3[%dma_start3A_42, %dma_start3A_43] : memref<1000000x64xf32, #tpu.memory_space<hbm>> -> memref<1000000x64xf32, #tpu.memory_space<hbm>>
    %dma_start3A_45 = tpu.memref_slice %arg7[%dma_start3A_34] : memref<4x!tpu.dma_semaphore, #tpu.memory_space<semaphore_mem>> -> memref<1x!tpu.dma_semaphore, #tpu.memory_space<semaphore_mem>>
    %dma_start3A_46 = tpu.memref_squeeze %dma_start3A_45 : memref<1x!tpu.dma_semaphore, #tpu.memory_space<semaphore_mem>> -> memref<!tpu.dma_semaphore, #tpu.memory_space<semaphore_mem>>
    tpu.enqueue_indirect_dma source(%dma_start3A_44 : memref<1000000x64xf32, #tpu.memory_space<hbm>>) target(%dma_start3A_38 : memref<128x64xf32, #tpu.memory_space<vmem>>) offsets(%dma_start3A_41 : memref<128xi32, #tpu.memory_space<vmem>>) semaphore(%dma_start3A_46 : memref<!tpu.dma_semaphore, #tpu.memory_space<semaphore_mem>>)
    %dma_start3A_47 = arith.constant 1 : i32
    %dma_start3A_48 = arith.constant 1 : i32
    %dma_start3A_49 = arith.constant 1 : i32
    %dma_start3A_50 = arith.constant 128 : i32
    %dma_start3A_51 = arith.constant 0 : i32
    %dma_start3A_52 = tpu.memref_slice %arg6[%dma_start3A_48, %dma_start3A_50, %dma_start3A_51] : memref<4x200x64xf32, #tpu.memory_space<vmem>> -> memref<1x72x64xf32, #tpu.memory_space<vmem>>
    %dma_start3A_53 = tpu.memref_squeeze %dma_start3A_52 : memref<1x72x64xf32, #tpu.memory_space<vmem>> -> memref<72x64xf32, #tpu.memory_space<vmem>>
    %dma_start3A_54 = arith.constant 128 : i32
    %dma_start3A_55 = tpu.memref_slice %arg5[%dma_start3A_47, %dma_start3A_54] : memref<128x256xi32, #tpu.memory_space<vmem>> -> memref<1x72xi32, #tpu.memory_space<vmem>>
    %dma_start3A_56 = tpu.memref_squeeze %dma_start3A_55 : memref<1x72xi32, #tpu.memory_space<vmem>> -> memref<72xi32, #tpu.memory_space<vmem>>
    %dma_start3A_57 = arith.constant 0 : i32
    %dma_start3A_58 = arith.constant 0 : i32
    %dma_start3A_59 = tpu.memref_slice %arg3[%dma_start3A_57, %dma_start3A_58] : memref<1000000x64xf32, #tpu.memory_space<hbm>> -> memref<1000000x64xf32, #tpu.memory_space<hbm>>
    %dma_start3A_60 = tpu.memref_slice %arg7[%dma_start3A_49] : memref<4x!tpu.dma_semaphore, #tpu.memory_space<semaphore_mem>> -> memref<1x!tpu.dma_semaphore, #tpu.memory_space<semaphore_mem>>
    %dma_start3A_61 = tpu.memref_squeeze %dma_start3A_60 : memref<1x!tpu.dma_semaphore, #tpu.memory_space<semaphore_mem>> -> memref<!tpu.dma_semaphore, #tpu.memory_space<semaphore_mem>>
    tpu.enqueue_indirect_dma source(%dma_start3A_59 : memref<1000000x64xf32, #tpu.memory_space<hbm>>) target(%dma_start3A_53 : memref<72x64xf32, #tpu.memory_space<vmem>>) offsets(%dma_start3A_56 : memref<72xi32, #tpu.memory_space<vmem>>) semaphore(%dma_start3A_61 : memref<!tpu.dma_semaphore, #tpu.memory_space<semaphore_mem>>)
    %dma_start3A_62 = arith.constant 2 : i32
    %dma_start3A_63 = arith.constant 2 : i32
    %dma_start3A_64 = arith.constant 2 : i32
    %dma_start3A_65 = arith.constant 0 : i32
    %dma_start3A_66 = arith.constant 0 : i32
    %dma_start3A_67 = tpu.memref_slice %arg6[%dma_start3A_63, %dma_start3A_65, %dma_start3A_66] : memref<4x200x64xf32, #tpu.memory_space<vmem>> -> memref<1x128x64xf32, #tpu.memory_space<vmem>>
    %dma_start3A_68 = tpu.memref_squeeze %dma_start3A_67 : memref<1x128x64xf32, #tpu.memory_space<vmem>> -> memref<128x64xf32, #tpu.memory_space<vmem>>
    %dma_start3A_69 = arith.constant 0 : i32
    %dma_start3A_70 = tpu.memref_slice %arg5[%dma_start3A_62, %dma_start3A_69] : memref<128x256xi32, #tpu.memory_space<vmem>> -> memref<1x128xi32, #tpu.memory_space<vmem>>
    %dma_start3A_71 = tpu.memref_squeeze %dma_start3A_70 : memref<1x128xi32, #tpu.memory_space<vmem>> -> memref<128xi32, #tpu.memory_space<vmem>>
    %dma_start3A_72 = arith.constant 0 : i32
    %dma_start3A_73 = arith.constant 0 : i32
    %dma_start3A_74 = tpu.memref_slice %arg3[%dma_start3A_72, %dma_start3A_73] : memref<1000000x64xf32, #tpu.memory_space<hbm>> -> memref<1000000x64xf32, #tpu.memory_space<hbm>>
    %dma_start3A_75 = tpu.memref_slice %arg7[%dma_start3A_64] : memref<4x!tpu.dma_semaphore, #tpu.memory_space<semaphore_mem>> -> memref<1x!tpu.dma_semaphore, #tpu.memory_space<semaphore_mem>>
    %dma_start3A_76 = tpu.memref_squeeze %dma_start3A_75 : memref<1x!tpu.dma_semaphore, #tpu.memory_space<semaphore_mem>> -> memref<!tpu.dma_semaphore, #tpu.memory_space<semaphore_mem>>
    tpu.enqueue_indirect_dma source(%dma_start3A_74 : memref<1000000x64xf32, #tpu.memory_space<hbm>>) target(%dma_start3A_68 : memref<128x64xf32, #tpu.memory_space<vmem>>) offsets(%dma_start3A_71 : memref<128xi32, #tpu.memory_space<vmem>>) semaphore(%dma_start3A_76 : memref<!tpu.dma_semaphore, #tpu.memory_space<semaphore_mem>>)
    %dma_start3A_77 = arith.constant 2 : i32
    %dma_start3A_78 = arith.constant 2 : i32
    %dma_start3A_79 = arith.constant 2 : i32
    %dma_start3A_80 = arith.constant 128 : i32
    %dma_start3A_81 = arith.constant 0 : i32
    %dma_start3A_82 = tpu.memref_slice %arg6[%dma_start3A_78, %dma_start3A_80, %dma_start3A_81] : memref<4x200x64xf32, #tpu.memory_space<vmem>> -> memref<1x72x64xf32, #tpu.memory_space<vmem>>
    %dma_start3A_83 = tpu.memref_squeeze %dma_start3A_82 : memref<1x72x64xf32, #tpu.memory_space<vmem>> -> memref<72x64xf32, #tpu.memory_space<vmem>>
    %dma_start3A_84 = arith.constant 128 : i32
    %dma_start3A_85 = tpu.memref_slice %arg5[%dma_start3A_77, %dma_start3A_84] : memref<128x256xi32, #tpu.memory_space<vmem>> -> memref<1x72xi32, #tpu.memory_space<vmem>>
    %dma_start3A_86 = tpu.memref_squeeze %dma_start3A_85 : memref<1x72xi32, #tpu.memory_space<vmem>> -> memref<72xi32, #tpu.memory_space<vmem>>
    %dma_start3A_87 = arith.constant 0 : i32
    %dma_start3A_88 = arith.constant 0 : i32
    %dma_start3A_89 = tpu.memref_slice %arg3[%dma_start3A_87, %dma_start3A_88] : memref<1000000x64xf32, #tpu.memory_space<hbm>> -> memref<1000000x64xf32, #tpu.memory_space<hbm>>
    %dma_start3A_90 = tpu.memref_slice %arg7[%dma_start3A_79] : memref<4x!tpu.dma_semaphore, #tpu.memory_space<semaphore_mem>> -> memref<1x!tpu.dma_semaphore, #tpu.memory_space<semaphore_mem>>
    %dma_start3A_91 = tpu.memref_squeeze %dma_start3A_90 : memref<1x!tpu.dma_semaphore, #tpu.memory_space<semaphore_mem>> -> memref<!tpu.dma_semaphore, #tpu.memory_space<semaphore_mem>>
    tpu.enqueue_indirect_dma source(%dma_start3A_89 : memref<1000000x64xf32, #tpu.memory_space<hbm>>) target(%dma_start3A_83 : memref<72x64xf32, #tpu.memory_space<vmem>>) offsets(%dma_start3A_86 : memref<72xi32, #tpu.memory_space<vmem>>) semaphore(%dma_start3A_91 : memref<!tpu.dma_semaphore, #tpu.memory_space<semaphore_mem>>)
    %scan3A = arith.constant 0 : i32
    %scan3A_92 = arith.constant 0 : i32
    %scan3A_93 = arith.constant 32 : i32
    %scan3A_94 = arith.addi %scan3A_92, %scan3A_93 : i32
    %scan3A_95 = arith.constant 1 : i32
    %scan3A_96 = scf.for %scan3A_185 = %scan3A_92 to %scan3A_94 step %scan3A_95 iter_args(%scan3A_186 = %scan3A) -> (i32)  : i32 {
      %mul3A_187 = arith.constant 4 : i32
      %mul3A_188 = arith.muli %scan3A_185, %mul3A_187 : i32
      %add3A_189 = arith.constant 0 : i32
      %add3A_190 = arith.addi %mul3A_188, %add3A_189 : i32
      %add3A_191 = arith.addi %mul3A_2, %add3A_190 : i32
      %dma_wait3A_192 = arith.constant 0 : i32
      %dma_wait3A_193 = arith.constant 0 : i32
      %dma_wait3A_194 = arith.constant 0 : i32
      %dma_wait3A_195 = arith.constant 0 : i32
      %dma_wait3A_196 = tpu.memref_slice %arg6[%dma_wait3A_192, %dma_wait3A_194, %dma_wait3A_195] : memref<4x200x64xf32, #tpu.memory_space<vmem>> -> memref<1x200x64xf32, #tpu.memory_space<vmem>>
      %dma_wait3A_197 = tpu.memref_squeeze %dma_wait3A_196 : memref<1x200x64xf32, #tpu.memory_space<vmem>> -> memref<200x64xf32, #tpu.memory_space<vmem>>
      %dma_wait3A_198 = arith.constant 0 : i32
      %dma_wait3A_199 = arith.constant 0 : i32
      %dma_wait3A_200 = tpu.memref_slice %arg4[%add3A_191, %dma_wait3A_198, %dma_wait3A_199] : memref<4096x200x128xf32, #tpu.memory_space<hbm>> -> memref<1x200x64xf32, #tpu.memory_space<hbm>>
      %dma_wait3A_201 = tpu.memref_squeeze %dma_wait3A_200 : memref<1x200x64xf32, #tpu.memory_space<hbm>> -> memref<200x64xf32, #tpu.memory_space<hbm>>
      %dma_wait3A_202 = tpu.memref_slice %arg7[%dma_wait3A_193] : memref<4x!tpu.dma_semaphore, #tpu.memory_space<semaphore_mem>> -> memref<1x!tpu.dma_semaphore, #tpu.memory_space<semaphore_mem>>
      %dma_wait3A_203 = tpu.memref_squeeze %dma_wait3A_202 : memref<1x!tpu.dma_semaphore, #tpu.memory_space<semaphore_mem>> -> memref<!tpu.dma_semaphore, #tpu.memory_space<semaphore_mem>>
      %dma_wait3A_204 = arith.constant 0 : i32
      %dma_wait3A_205 = arith.constant 0 : i32
      %dma_wait3A_206 = tpu.memref_slice %arg6[%dma_wait3A_192, %dma_wait3A_204, %dma_wait3A_205] : memref<4x200x64xf32, #tpu.memory_space<vmem>> -> memref<1x200x64xf32, #tpu.memory_space<vmem>>
      %dma_wait3A_207 = tpu.memref_squeeze %dma_wait3A_206 : memref<1x200x64xf32, #tpu.memory_space<vmem>> -> memref<200x64xf32, #tpu.memory_space<vmem>>
      %dma_wait3A_208 = arith.constant 0 : i32
      %dma_wait3A_209 = arith.constant 0 : i32
      %dma_wait3A_210 = tpu.memref_slice %arg4[%add3A_191, %dma_wait3A_208, %dma_wait3A_209] : memref<4096x200x128xf32, #tpu.memory_space<hbm>> -> memref<1x200x64xf32, #tpu.memory_space<hbm>>
      %dma_wait3A_211 = tpu.memref_squeeze %dma_wait3A_210 : memref<1x200x64xf32, #tpu.memory_space<hbm>> -> memref<200x64xf32, #tpu.memory_space<hbm>>
      tpu.wait_dma2 semaphore(%dma_wait3A_203 : memref<!tpu.dma_semaphore, #tpu.memory_space<semaphore_mem>>) src(%dma_wait3A_211 : memref<200x64xf32, #tpu.memory_space<hbm>>) dst(%dma_wait3A_207 : memref<200x64xf32, #tpu.memory_space<vmem>>)
      %scan3A_212 = arith.constant 0 : i32
      %scan3A_213 = arith.constant 0 : i32
      %scan3A_214 = arith.constant 100 : i32
      %scan3A_215 = arith.addi %scan3A_213, %scan3A_214 : i32
      %scan3A_216 = arith.constant 1 : i32
      %scan3A_217 = scf.for %scan3A_432 = %scan3A_213 to %scan3A_215 step %scan3A_216 iter_args(%scan3A_433 = %scan3A_212) -> (i32)  : i32 {
        %mul3A_434 = arith.constant 2 : i32
        %mul3A_435 = arith.muli %scan3A_432, %mul3A_434 : i32
        %add3A_436 = arith.constant 0 : i32
        %add3A_437 = arith.addi %mul3A_435, %add3A_436 : i32
        %get3A = arith.constant 0 : i32
        %get3A_438 = arith.index_cast %get3A : i32 to index
        %get3A_439 = arith.index_cast %add3A_437 : i32 to index
        %get3A_440 = arith.constant 0 : index
        %get3A_441 = tpu.vector_load %arg6[%get3A_438, %get3A_439, %get3A_440] {strides = array<i32>} : memref<4x200x64xf32, #tpu.memory_space<vmem>>, vector<1x1x16xf32>,
        %get3A_442 = vector.shape_cast %get3A_441 : vector<1x1x16xf32> to vector<16xf32>
        %mul3A_443 = arith.constant 8.000000e+00 : f32
        %mul3A_444 = vector.broadcast %mul3A_443 : f32 to vector<16xf32>
        %mul3A_445 = arith.mulf %get3A_442, %mul3A_444 : vector<16xf32>
        %mul3A_446 = arith.constant 2 : i32
        %mul3A_447 = arith.muli %scan3A_432, %mul3A_446 : i32
        %add3A_448 = arith.constant 0 : i32
        %add3A_449 = arith.addi %mul3A_447, %add3A_448 : i32
        %swap3A = arith.constant 0 : i32
        %swap3A_450 = arith.index_cast %swap3A : i32 to index
        %swap3A_451 = arith.index_cast %add3A_449 : i32 to index
        %swap3A_452 = arith.constant 0 : index
        %swap3A_453 = tpu.vector_load %arg6[%swap3A_450, %swap3A_451, %swap3A_452] {strides = array<i32>} : memref<4x200x64xf32, #tpu.memory_space<vmem>>, vector<1x1x16xf32>,
        %swap3A_454 = vector.shape_cast %swap3A_453 : vector<1x1x16xf32> to vector<16xf32>
        %swap3A_455 = vector.shape_cast %mul3A_445 : vector<16xf32> to vector<1x1x16xf32>
        tpu.vector_store %arg6[%swap3A_450, %swap3A_451, %swap3A_452], %swap3A_455 {strides = array<i32>} : memref<4x200x64xf32, #tpu.memory_space<vmem>>, vector<1x1x16xf32>,
        %mul3A_456 = arith.constant 2 : i32
        %mul3A_457 = arith.muli %scan3A_432, %mul3A_456 : i32
        %add3A_458 = arith.constant 0 : i32
        %add3A_459 = arith.addi %mul3A_457, %add3A_458 : i32
        %get3A_460 = arith.constant 0 : i32
        %get3A_461 = arith.index_cast %get3A_460 : i32 to index
        %get3A_462 = arith.index_cast %add3A_459 : i32 to index
        %get3A_463 = arith.constant 16 : index
        %get3A_464 = tpu.vector_load %arg6[%get3A_461, %get3A_462, %get3A_463] {strides = array<i32>} : memref<4x200x64xf32, #tpu.memory_space<vmem>>, vector<1x1x16xf32>,
        %get3A_465 = vector.shape_cast %get3A_464 : vector<1x1x16xf32> to vector<16xf32>
        %mul3A_466 = arith.constant 8.000000e+00 : f32
        %mul3A_467 = vector.broadcast %mul3A_466 : f32 to vector<16xf32>
        %mul3A_468 = arith.mulf %get3A_465, %mul3A_467 : vector<16xf32>
        %mul3A_469 = arith.constant 2 : i32
        %mul3A_470 = arith.muli %scan3A_432, %mul3A_469 : i32
        %add3A_471 = arith.constant 0 : i32
        %add3A_472 = arith.addi %mul3A_470, %add3A_471 : i32
        %swap3A_473 = arith.constant 0 : i32
        %swap3A_474 = arith.index_cast %swap3A_473 : i32 to index
        %swap3A_475 = arith.index_cast %add3A_472 : i32 to index
        %swap3A_476 = arith.constant 16 : index
        %swap3A_477 = tpu.vector_load %arg6[%swap3A_474, %swap3A_475, %swap3A_476] {strides = array<i32>} : memref<4x200x64xf32, #tpu.memory_space<vmem>>, vector<1x1x16xf32>,
        %swap3A_478 = vector.shape_cast %swap3A_477 : vector<1x1x16xf32> to vector<16xf32>
        %swap3A_479 = vector.shape_cast %mul3A_468 : vector<16xf32> to vector<1x1x16xf32>
        tpu.vector_store %arg6[%swap3A_474, %swap3A_475, %swap3A_476], %swap3A_479 {strides = array<i32>} : memref<4x200x64xf32, #tpu.memory_space<vmem>>, vector<1x1x16xf32>,
        %mul3A_480 = arith.constant 2 : i32
        %mul3A_481 = arith.muli %scan3A_432, %mul3A_480 : i32
        %add3A_482 = arith.constant 0 : i32
        %add3A_483 = arith.addi %mul3A_481, %add3A_482 : i32
        %get3A_484 = arith.constant 0 : i32
        %get3A_485 = arith.index_cast %get3A_484 : i32 to index
        %get3A_486 = arith.index_cast %add3A_483 : i32 to index
        %get3A_487 = arith.constant 32 : index
        %get3A_488 = tpu.vector_load %arg6[%get3A_485, %get3A_486, %get3A_487] {strides = array<i32>} : memref<4x200x64xf32, #tpu.memory_space<vmem>>, vector<1x1x16xf32>,
        %get3A_489 = vector.shape_cast %get3A_488 : vector<1x1x16xf32> to vector<16xf32>
        %mul3A_490 = arith.constant 8.000000e+00 : f32
        %mul3A_491 = vector.broadcast %mul3A_490 : f32 to vector<16xf32>
        %mul3A_492 = arith.mulf %get3A_489, %mul3A_491 : vector<16xf32>
        %mul3A_493 = arith.constant 2 : i32
        %mul3A_494 = arith.muli %scan3A_432, %mul3A_493 : i32
        %add3A_495 = arith.constant 0 : i32
        %add3A_496 = arith.addi %mul3A_494, %add3A_495 : i32
        %swap3A_497 = arith.constant 0 : i32
        %swap3A_498 = arith.index_cast %swap3A_497 : i32 to index
        %swap3A_499 = arith.index_cast %add3A_496 : i32 to index
        %swap3A_500 = arith.constant 32 : index
        %swap3A_501 = tpu.vector_load %arg6[%swap3A_498, %swap3A_499, %swap3A_500] {strides = array<i32>} : memref<4x200x64xf32, #tpu.memory_space<vmem>>, vector<1x1x16xf32>,
        %swap3A_502 = vector.shape_cast %swap3A_501 : vector<1x1x16xf32> to vector<16xf32>
        %swap3A_503 = vector.shape_cast %mul3A_492 : vector<16xf32> to vector<1x1x16xf32>
        tpu.vector_store %arg6[%swap3A_498, %swap3A_499, %swap3A_500], %swap3A_503 {strides = array<i32>} : memref<4x200x64xf32, #tpu.memory_space<vmem>>, vector<1x1x16xf32>,
        %mul3A_504 = arith.constant 2 : i32
        %mul3A_505 = arith.muli %scan3A_432, %mul3A_504 : i32
        %add3A_506 = arith.constant 0 : i32
        %add3A_507 = arith.addi %mul3A_505, %add3A_506 : i32
        %get3A_508 = arith.constant 0 : i32
        %get3A_509 = arith.index_cast %get3A_508 : i32 to index
        %get3A_510 = arith.index_cast %add3A_507 : i32 to index
        %get3A_511 = arith.constant 48 : index
        %get3A_512 = tpu.vector_load %arg6[%get3A_509, %get3A_510, %get3A_511] {strides = array<i32>} : memref<4x200x64xf32, #tpu.memory_space<vmem>>, vector<1x1x16xf32>,
        %get3A_513 = vector.shape_cast %get3A_512 : vector<1x1x16xf32> to vector<16xf32>
        %mul3A_514 = arith.constant 8.000000e+00 : f32
        %mul3A_515 = vector.broadcast %mul3A_514 : f32 to vector<16xf32>
        %mul3A_516 = arith.mulf %get3A_513, %mul3A_515 : vector<16xf32>
        %mul3A_517 = arith.constant 2 : i32
        %mul3A_518 = arith.muli %scan3A_432, %mul3A_517 : i32
        %add3A_519 = arith.constant 0 : i32
        %add3A_520 = arith.addi %mul3A_518, %add3A_519 : i32
        %swap3A_521 = arith.constant 0 : i32
        %swap3A_522 = arith.index_cast %swap3A_521 : i32 to index
        %swap3A_523 = arith.index_cast %add3A_520 : i32 to index
        %swap3A_524 = arith.constant 48 : index
        %swap3A_525 = tpu.vector_load %arg6[%swap3A_522, %swap3A_523, %swap3A_524] {strides = array<i32>} : memref<4x200x64xf32, #tpu.memory_space<vmem>>, vector<1x1x16xf32>,
        %swap3A_526 = vector.shape_cast %swap3A_525 : vector<1x1x16xf32> to vector<16xf32>
        %swap3A_527 = vector.shape_cast %mul3A_516 : vector<16xf32> to vector<1x1x16xf32>
        tpu.vector_store %arg6[%swap3A_522, %swap3A_523, %swap3A_524], %swap3A_527 {strides = array<i32>} : memref<4x200x64xf32, #tpu.memory_space<vmem>>, vector<1x1x16xf32>,
        %mul3A_528 = arith.constant 2 : i32
        %mul3A_529 = arith.muli %scan3A_432, %mul3A_528 : i32
        %add3A_530 = arith.constant 1 : i32
        %add3A_531 = arith.addi %mul3A_529, %add3A_530 : i32
        %get3A_532 = arith.constant 0 : i32
        %get3A_533 = arith.index_cast %get3A_532 : i32 to index
        %get3A_534 = arith.index_cast %add3A_531 : i32 to index
        %get3A_535 = arith.constant 0 : index
        %get3A_536 = tpu.vector_load %arg6[%get3A_533, %get3A_534, %get3A_535] {strides = array<i32>} : memref<4x200x64xf32, #tpu.memory_space<vmem>>, vector<1x1x16xf32>,
        %get3A_537 = vector.shape_cast %get3A_536 : vector<1x1x16xf32> to vector<16xf32>
        %mul3A_538 = arith.constant 8.000000e+00 : f32
        %mul3A_539 = vector.broadcast %mul3A_538 : f32 to vector<16xf32>
        %mul3A_540 = arith.mulf %get3A_537, %mul3A_539 : vector<16xf32>
        %mul3A_541 = arith.constant 2 : i32
        %mul3A_542 = arith.muli %scan3A_432, %mul3A_541 : i32
        %add3A_543 = arith.constant 1 : i32
        %add3A_544 = arith.addi %mul3A_542, %add3A_543 : i32
        %swap3A_545 = arith.constant 0 : i32
        %swap3A_546 = arith.index_cast %swap3A_545 : i32 to index
        %swap3A_547 = arith.index_cast %add3A_544 : i32 to index
        %swap3A_548 = arith.constant 0 : index
        %swap3A_549 = tpu.vector_load %arg6[%swap3A_546, %swap3A_547, %swap3A_548] {strides = array<i32>} : memref<4x200x64xf32, #tpu.memory_space<vmem>>, vector<1x1x16xf32>,
        %swap3A_550 = vector.shape_cast %swap3A_549 : vector<1x1x16xf32> to vector<16xf32>
        %swap3A_551 = vector.shape_cast %mul3A_540 : vector<16xf32> to vector<1x1x16xf32>
        tpu.vector_store %arg6[%swap3A_546, %swap3A_547, %swap3A_548], %swap3A_551 {strides = array<i32>} : memref<4x200x64xf32, #tpu.memory_space<vmem>>, vector<1x1x16xf32>,
        %mul3A_552 = arith.constant 2 : i32
        %mul3A_553 = arith.muli %scan3A_432, %mul3A_552 : i32
        %add3A_554 = arith.constant 1 : i32
        %add3A_555 = arith.addi %mul3A_553, %add3A_554 : i32
        %get3A_556 = arith.constant 0 : i32
        %get3A_557 = arith.index_cast %get3A_556 : i32 to index
        %get3A_558 = arith.index_cast %add3A_555 : i32 to index
        %get3A_559 = arith.constant 16 : index
        %get3A_560 = tpu.vector_load %arg6[%get3A_557, %get3A_558, %get3A_559] {strides = array<i32>} : memref<4x200x64xf32, #tpu.memory_space<vmem>>, vector<1x1x16xf32>,
        %get3A_561 = vector.shape_cast %get3A_560 : vector<1x1x16xf32> to vector<16xf32>
        %mul3A_562 = arith.constant 8.000000e+00 : f32
        %mul3A_563 = vector.broadcast %mul3A_562 : f32 to vector<16xf32>
        %mul3A_564 = arith.mulf %get3A_561, %mul3A_563 : vector<16xf32>
        %mul3A_565 = arith.constant 2 : i32
        %mul3A_566 = arith.muli %scan3A_432, %mul3A_565 : i32
        %add3A_567 = arith.constant 1 : i32
        %add3A_568 = arith.addi %mul3A_566, %add3A_567 : i32
        %swap3A_569 = arith.constant 0 : i32
        %swap3A_570 = arith.index_cast %swap3A_569 : i32 to index
        %swap3A_571 = arith.index_cast %add3A_568 : i32 to index
        %swap3A_572 = arith.constant 16 : index
        %swap3A_573 = tpu.vector_load %arg6[%swap3A_570, %swap3A_571, %swap3A_572] {strides = array<i32>} : memref<4x200x64xf32, #tpu.memory_space<vmem>>, vector<1x1x16xf32>,
        %swap3A_574 = vector.shape_cast %swap3A_573 : vector<1x1x16xf32> to vector<16xf32>
        %swap3A_575 = vector.shape_cast %mul3A_564 : vector<16xf32> to vector<1x1x16xf32>
        tpu.vector_store %arg6[%swap3A_570, %swap3A_571, %swap3A_572], %swap3A_575 {strides = array<i32>} : memref<4x200x64xf32, #tpu.memory_space<vmem>>, vector<1x1x16xf32>,
        %mul3A_576 = arith.constant 2 : i32
        %mul3A_577 = arith.muli %scan3A_432, %mul3A_576 : i32
        %add3A_578 = arith.constant 1 : i32
        %add3A_579 = arith.addi %mul3A_577, %add3A_578 : i32
        %get3A_580 = arith.constant 0 : i32
        %get3A_581 = arith.index_cast %get3A_580 : i32 to index
        %get3A_582 = arith.index_cast %add3A_579 : i32 to index
        %get3A_583 = arith.constant 32 : index
        %get3A_584 = tpu.vector_load %arg6[%get3A_581, %get3A_582, %get3A_583] {strides = array<i32>} : memref<4x200x64xf32, #tpu.memory_space<vmem>>, vector<1x1x16xf32>,
        %get3A_585 = vector.shape_cast %get3A_584 : vector<1x1x16xf32> to vector<16xf32>
        %mul3A_586 = arith.constant 8.000000e+00 : f32
        %mul3A_587 = vector.broadcast %mul3A_586 : f32 to vector<16xf32>
        %mul3A_588 = arith.mulf %get3A_585, %mul3A_587 : vector<16xf32>
        %mul3A_589 = arith.constant 2 : i32
        %mul3A_590 = arith.muli %scan3A_432, %mul3A_589 : i32
        %add3A_591 = arith.constant 1 : i32
        %add3A_592 = arith.addi %mul3A_590, %add3A_591 : i32
        %swap3A_593 = arith.constant 0 : i32
        %swap3A_594 = arith.index_cast %swap3A_593 : i32 to index
        %swap3A_595 = arith.index_cast %add3A_592 : i32 to index
        %swap3A_596 = arith.constant 32 : index
        %swap3A_597 = tpu.vector_load %arg6[%swap3A_594, %swap3A_595, %swap3A_596] {strides = array<i32>} : memref<4x200x64xf32, #tpu.memory_space<vmem>>, vector<1x1x16xf32>,
        %swap3A_598 = vector.shape_cast %swap3A_597 : vector<1x1x16xf32> to vector<16xf32>
        %swap3A_599 = vector.shape_cast %mul3A_588 : vector<16xf32> to vector<1x1x16xf32>
        tpu.vector_store %arg6[%swap3A_594, %swap3A_595, %swap3A_596], %swap3A_599 {strides = array<i32>} : memref<4x200x64xf32, #tpu.memory_space<vmem>>, vector<1x1x16xf32>,
        %mul3A_600 = arith.constant 2 : i32
        %mul3A_601 = arith.muli %scan3A_432, %mul3A_600 : i32
        %add3A_602 = arith.constant 1 : i32
        %add3A_603 = arith.addi %mul3A_601, %add3A_602 : i32
        %get3A_604 = arith.constant 0 : i32
        %get3A_605 = arith.index_cast %get3A_604 : i32 to index
        %get3A_606 = arith.index_cast %add3A_603 : i32 to index
        %get3A_607 = arith.constant 48 : index
        %get3A_608 = tpu.vector_load %arg6[%get3A_605, %get3A_606, %get3A_607] {strides = array<i32>} : memref<4x200x64xf32, #tpu.memory_space<vmem>>, vector<1x1x16xf32>,
        %get3A_609 = vector.shape_cast %get3A_608 : vector<1x1x16xf32> to vector<16xf32>
        %mul3A_610 = arith.constant 8.000000e+00 : f32
        %mul3A_611 = vector.broadcast %mul3A_610 : f32 to vector<16xf32>
        %mul3A_612 = arith.mulf %get3A_609, %mul3A_611 : vector<16xf32>
        %mul3A_613 = arith.constant 2 : i32
        %mul3A_614 = arith.muli %scan3A_432, %mul3A_613 : i32
        %add3A_615 = arith.constant 1 : i32
        %add3A_616 = arith.addi %mul3A_614, %add3A_615 : i32
        %swap3A_617 = arith.constant 0 : i32
        %swap3A_618 = arith.index_cast %swap3A_617 : i32 to index
        %swap3A_619 = arith.index_cast %add3A_616 : i32 to index
        %swap3A_620 = arith.constant 48 : index
        %swap3A_621 = tpu.vector_load %arg6[%swap3A_618, %swap3A_619, %swap3A_620] {strides = array<i32>} : memref<4x200x64xf32, #tpu.memory_space<vmem>>, vector<1x1x16xf32>,
        %swap3A_622 = vector.shape_cast %swap3A_621 : vector<1x1x16xf32> to vector<16xf32>
        %swap3A_623 = vector.shape_cast %mul3A_612 : vector<16xf32> to vector<1x1x16xf32>
        tpu.vector_store %arg6[%swap3A_618, %swap3A_619, %swap3A_620], %swap3A_623 {strides = array<i32>} : memref<4x200x64xf32, #tpu.memory_space<vmem>>, vector<1x1x16xf32>,
        %scan3A_624 = arith.constant 0 : i32
        scf.yield %scan3A_624 : i32
      }
      %scan3A_218 = arith.constant 100 : i32
      %add3A_219 = arith.constant 4 : i32
      %add3A_220 = arith.addi %add3A_190, %add3A_219 : i32
      %sub3A = arith.constant 1 : i32
      %sub3A_221 = arith.subi %add3A_220, %sub3A : i32
      %lt3A = arith.constant 128 : i32
      %lt3A_222 = arith.cmpi slt, %sub3A_221, %lt3A : i32
      %convert_element_type3A = arith.extui %lt3A_222 : i1 to i32
      %cond3A = arith.constant 0 : i32
      %cond3A_223 = arith.cmpi ne, %convert_element_type3A, %cond3A : i32
      scf.if %cond3A_223 {
        %ge3A = arith.constant 1 : i32
        %ge3A_432 = arith.cmpi sge, %add3A_190, %ge3A : i32
        %convert_element_type3A_433 = arith.extui %ge3A_432 : i1 to i32
        %cond3A_434 = arith.constant 0 : i32
        %cond3A_435 = arith.cmpi ne, %convert_element_type3A_433, %cond3A_434 : i32
        scf.if %cond3A_435 {
          %sub3A_464 = arith.constant 1 : i32
          %sub3A_465 = arith.subi %add3A_190, %sub3A_464 : i32
          %add3A_466 = arith.addi %mul3A_2, %sub3A_465 : i32
          %dma_wait3A_467 = arith.constant 3 : i32
          %dma_wait3A_468 = arith.constant 3 : i32
          %dma_wait3A_469 = arith.constant 0 : i32
          %dma_wait3A_470 = arith.constant 0 : i32
          %dma_wait3A_471 = tpu.memref_slice %arg6[%dma_wait3A_467, %dma_wait3A_469, %dma_wait3A_470] : memref<4x200x64xf32, #tpu.memory_space<vmem>> -> memref<1x200x64xf32, #tpu.memory_space<vmem>>
          %dma_wait3A_472 = tpu.memref_squeeze %dma_wait3A_471 : memref<1x200x64xf32, #tpu.memory_space<vmem>> -> memref<200x64xf32, #tpu.memory_space<vmem>>
          %dma_wait3A_473 = arith.constant 0 : i32
          %dma_wait3A_474 = arith.constant 0 : i32
          %dma_wait3A_475 = tpu.memref_slice %arg4[%add3A_466, %dma_wait3A_473, %dma_wait3A_474] : memref<4096x200x128xf32, #tpu.memory_space<hbm>> -> memref<1x200x64xf32, #tpu.memory_space<hbm>>
          %dma_wait3A_476 = tpu.memref_squeeze %dma_wait3A_475 : memref<1x200x64xf32, #tpu.memory_space<hbm>> -> memref<200x64xf32, #tpu.memory_space<hbm>>
          %dma_wait3A_477 = tpu.memref_slice %arg8[%dma_wait3A_468] : memref<4x!tpu.dma_semaphore, #tpu.memory_space<semaphore_mem>> -> memref<1x!tpu.dma_semaphore, #tpu.memory_space<semaphore_mem>>
          %dma_wait3A_478 = tpu.memref_squeeze %dma_wait3A_477 : memref<1x!tpu.dma_semaphore, #tpu.memory_space<semaphore_mem>> -> memref<!tpu.dma_semaphore, #tpu.memory_space<semaphore_mem>>
          %dma_wait3A_479 = arith.constant 0 : i32
          %dma_wait3A_480 = arith.constant 0 : i32
          %dma_wait3A_481 = tpu.memref_slice %arg6[%dma_wait3A_467, %dma_wait3A_479, %dma_wait3A_480] : memref<4x200x64xf32, #tpu.memory_space<vmem>> -> memref<1x200x64xf32, #tpu.memory_space<vmem>>
          %dma_wait3A_482 = tpu.memref_squeeze %dma_wait3A_481 : memref<1x200x64xf32, #tpu.memory_space<vmem>> -> memref<200x64xf32, #tpu.memory_space<vmem>>
          %dma_wait3A_483 = arith.constant 0 : i32
          %dma_wait3A_484 = arith.constant 0 : i32
          %dma_wait3A_485 = tpu.memref_slice %arg4[%add3A_466, %dma_wait3A_483, %dma_wait3A_484] : memref<4096x200x128xf32, #tpu.memory_space<hbm>> -> memref<1x200x64xf32, #tpu.memory_space<hbm>>
          %dma_wait3A_486 = tpu.memref_squeeze %dma_wait3A_485 : memref<1x200x64xf32, #tpu.memory_space<hbm>> -> memref<200x64xf32, #tpu.memory_space<hbm>>
          tpu.wait_dma2 semaphore(%dma_wait3A_478 : memref<!tpu.dma_semaphore, #tpu.memory_space<semaphore_mem>>) src(%dma_wait3A_486 : memref<200x64xf32, #tpu.memory_space<hbm>>) dst(%dma_wait3A_482 : memref<200x64xf32, #tpu.memory_space<vmem>>)
        } else {
        }
        %dma_start3A_436 = arith.constant 3 : i32
        %dma_start3A_437 = arith.constant 3 : i32
        %dma_start3A_438 = arith.constant 0 : i32
        %dma_start3A_439 = arith.constant 0 : i32
        %dma_start3A_440 = tpu.memref_slice %arg6[%dma_start3A_436, %dma_start3A_438, %dma_start3A_439] : memref<4x200x64xf32, #tpu.memory_space<vmem>> -> memref<1x128x64xf32, #tpu.memory_space<vmem>>
        %dma_start3A_441 = tpu.memref_squeeze %dma_start3A_440 : memref<1x128x64xf32, #tpu.memory_space<vmem>> -> memref<128x64xf32, #tpu.memory_space<vmem>>
        %dma_start3A_442 = arith.constant 0 : i32
        %dma_start3A_443 = tpu.memref_slice %arg5[%sub3A_221, %dma_start3A_442] : memref<128x256xi32, #tpu.memory_space<vmem>> -> memref<1x128xi32, #tpu.memory_space<vmem>>
        %dma_start3A_444 = tpu.memref_squeeze %dma_start3A_443 : memref<1x128xi32, #tpu.memory_space<vmem>> -> memref<128xi32, #tpu.memory_space<vmem>>
        %dma_start3A_445 = arith.constant 0 : i32
        %dma_start3A_446 = arith.constant 0 : i32
        %dma_start3A_447 = tpu.memref_slice %arg3[%dma_start3A_445, %dma_start3A_446] : memref<1000000x64xf32, #tpu.memory_space<hbm>> -> memref<1000000x64xf32, #tpu.memory_space<hbm>>
        %dma_start3A_448 = tpu.memref_slice %arg7[%dma_start3A_437] : memref<4x!tpu.dma_semaphore, #tpu.memory_space<semaphore_mem>> -> memref<1x!tpu.dma_semaphore, #tpu.memory_space<semaphore_mem>>
        %dma_start3A_449 = tpu.memref_squeeze %dma_start3A_448 : memref<1x!tpu.dma_semaphore, #tpu.memory_space<semaphore_mem>> -> memref<!tpu.dma_semaphore, #tpu.memory_space<semaphore_mem>>
        tpu.enqueue_indirect_dma source(%dma_start3A_447 : memref<1000000x64xf32, #tpu.memory_space<hbm>>) target(%dma_start3A_441 : memref<128x64xf32, #tpu.memory_space<vmem>>) offsets(%dma_start3A_444 : memref<128xi32, #tpu.memory_space<vmem>>) semaphore(%dma_start3A_449 : memref<!tpu.dma_semaphore, #tpu.memory_space<semaphore_mem>>)
        %dma_start3A_450 = arith.constant 3 : i32
        %dma_start3A_451 = arith.constant 3 : i32
        %dma_start3A_452 = arith.constant 128 : i32
        %dma_start3A_453 = arith.constant 0 : i32
        %dma_start3A_454 = tpu.memref_slice %arg6[%dma_start3A_450, %dma_start3A_452, %dma_start3A_453] : memref<4x200x64xf32, #tpu.memory_space<vmem>> -> memref<1x72x64xf32, #tpu.memory_space<vmem>>
        %dma_start3A_455 = tpu.memref_squeeze %dma_start3A_454 : memref<1x72x64xf32, #tpu.memory_space<vmem>> -> memref<72x64xf32, #tpu.memory_space<vmem>>
        %dma_start3A_456 = arith.constant 128 : i32
        %dma_start3A_457 = tpu.memref_slice %arg5[%sub3A_221, %dma_start3A_456] : memref<128x256xi32, #tpu.memory_space<vmem>> -> memref<1x72xi32, #tpu.memory_space<vmem>>
        %dma_start3A_458 = tpu.memref_squeeze %dma_start3A_457 : memref<1x72xi32, #tpu.memory_space<vmem>> -> memref<72xi32, #tpu.memory_space<vmem>>
        %dma_start3A_459 = arith.constant 0 : i32
        %dma_start3A_460 = arith.constant 0 : i32
        %dma_start3A_461 = tpu.memref_slice %arg3[%dma_start3A_459, %dma_start3A_460] : memref<1000000x64xf32, #tpu.memory_space<hbm>> -> memref<1000000x64xf32, #tpu.memory_space<hbm>>
        %dma_start3A_462 = tpu.memref_slice %arg7[%dma_start3A_451] : memref<4x!tpu.dma_semaphore, #tpu.memory_space<semaphore_mem>> -> memref<1x!tpu.dma_semaphore, #tpu.memory_space<semaphore_mem>>
        %dma_start3A_463 = tpu.memref_squeeze %dma_start3A_462 : memref<1x!tpu.dma_semaphore, #tpu.memory_space<semaphore_mem>> -> memref<!tpu.dma_semaphore, #tpu.memory_space<semaphore_mem>>
        tpu.enqueue_indirect_dma source(%dma_start3A_461 : memref<1000000x64xf32, #tpu.memory_space<hbm>>) target(%dma_start3A_455 : memref<72x64xf32, #tpu.memory_space<vmem>>) offsets(%dma_start3A_458 : memref<72xi32, #tpu.memory_space<vmem>>) semaphore(%dma_start3A_463 : memref<!tpu.dma_semaphore, #tpu.memory_space<semaphore_mem>>)
      } else {
      }
      %add3A_224 = arith.addi %mul3A_2, %add3A_190 : i32
      %dma_start3A_225 = arith.constant 0 : i32
      %dma_start3A_226 = arith.constant 0 : i32
      %dma_start3A_227 = arith.constant 0 : i32
      %dma_start3A_228 = arith.constant 0 : i32
      %dma_start3A_229 = tpu.memref_slice %arg6[%dma_start3A_225, %dma_start3A_227, %dma_start3A_228] : memref<4x200x64xf32, #tpu.memory_space<vmem>> -> memref<1x200x64xf32, #tpu.memory_space<vmem>>
      %dma_start3A_230 = tpu.memref_squeeze %dma_start3A_229 : memref<1x200x64xf32, #tpu.memory_space<vmem>> -> memref<200x64xf32, #tpu.memory_space<vmem>>
      %dma_start3A_231 = arith.constant 0 : i32
      %dma_start3A_232 = arith.constant 0 : i32
      %dma_start3A_233 = tpu.memref_slice %arg4[%add3A_224, %dma_start3A_231, %dma_start3A_232] : memref<4096x200x128xf32, #tpu.memory_space<hbm>> -> memref<1x200x64xf32, #tpu.memory_space<hbm>>
      %dma_start3A_234 = tpu.memref_squeeze %dma_start3A_233 : memref<1x200x64xf32, #tpu.memory_space<hbm>> -> memref<200x64xf32, #tpu.memory_space<hbm>>
      %dma_start3A_235 = tpu.memref_slice %arg8[%dma_start3A_226] : memref<4x!tpu.dma_semaphore, #tpu.memory_space<semaphore_mem>> -> memref<1x!tpu.dma_semaphore, #tpu.memory_space<semaphore_mem>>
      %dma_start3A_236 = tpu.memref_squeeze %dma_start3A_235 : memref<1x!tpu.dma_semaphore, #tpu.memory_space<semaphore_mem>> -> memref<!tpu.dma_semaphore, #tpu.memory_space<semaphore_mem>>
      %dma_start3A_237 = arith.constant 0 : i32
      %dma_start3A_238 = arith.constant 0 : i32
      %dma_start3A_239 = tpu.memref_slice %arg4[%add3A_224, %dma_start3A_237, %dma_start3A_238] : memref<4096x200x128xf32, #tpu.memory_space<hbm>> -> memref<1x200x64xf32, #tpu.memory_space<hbm>>
      %dma_start3A_240 = tpu.memref_squeeze %dma_start3A_239 : memref<1x200x64xf32, #tpu.memory_space<hbm>> -> memref<200x64xf32, #tpu.memory_space<hbm>>
      %dma_start3A_241 = arith.constant 0 : i32
      %dma_start3A_242 = arith.constant 0 : i32
      %dma_start3A_243 = tpu.memref_slice %arg6[%dma_start3A_225, %dma_start3A_241, %dma_start3A_242] : memref<4x200x64xf32, #tpu.memory_space<vmem>> -> memref<1x200x64xf32, #tpu.memory_space<vmem>>
      %dma_start3A_244 = tpu.memref_squeeze %dma_start3A_243 : memref<1x200x64xf32, #tpu.memory_space<vmem>> -> memref<200x64xf32, #tpu.memory_space<vmem>>
      tpu.enqueue_dma source(%dma_start3A_244 : memref<200x64xf32, #tpu.memory_space<vmem>>) target(%dma_start3A_240 : memref<200x64xf32, #tpu.memory_space<hbm>>) target_semaphore(%dma_start3A_236 : memref<!tpu.dma_semaphore, #tpu.memory_space<semaphore_mem>>)
      %mul3A_245 = arith.constant 4 : i32
      %mul3A_246 = arith.muli %scan3A_185, %mul3A_245 : i32
      %add3A_247 = arith.constant 1 : i32
      %add3A_248 = arith.addi %mul3A_246, %add3A_247 : i32
      %add3A_249 = arith.addi %mul3A_2, %add3A_248 : i32
      %dma_wait3A_250 = arith.constant 1 : i32
      %dma_wait3A_251 = arith.constant 1 : i32
      %dma_wait3A_252 = arith.constant 0 : i32
      %dma_wait3A_253 = arith.constant 0 : i32
      %dma_wait3A_254 = tpu.memref_slice %arg6[%dma_wait3A_250, %dma_wait3A_252, %dma_wait3A_253] : memref<4x200x64xf32, #tpu.memory_space<vmem>> -> memref<1x200x64xf32, #tpu.memory_space<vmem>>
      %dma_wait3A_255 = tpu.memref_squeeze %dma_wait3A_254 : memref<1x200x64xf32, #tpu.memory_space<vmem>> -> memref<200x64xf32, #tpu.memory_space<vmem>>
      %dma_wait3A_256 = arith.constant 0 : i32
      %dma_wait3A_257 = arith.constant 0 : i32
      %dma_wait3A_258 = tpu.memref_slice %arg4[%add3A_249, %dma_wait3A_256, %dma_wait3A_257] : memref<4096x200x128xf32, #tpu.memory_space<hbm>> -> memref<1x200x64xf32, #tpu.memory_space<hbm>>
      %dma_wait3A_259 = tpu.memref_squeeze %dma_wait3A_258 : memref<1x200x64xf32, #tpu.memory_space<hbm>> -> memref<200x64xf32, #tpu.memory_space<hbm>>
      %dma_wait3A_260 = tpu.memref_slice %arg7[%dma_wait3A_251] : memref<4x!tpu.dma_semaphore, #tpu.memory_space<semaphore_mem>> -> memref<1x!tpu.dma_semaphore, #tpu.memory_space<semaphore_mem>>
      %dma_wait3A_261 = tpu.memref_squeeze %dma_wait3A_260 : memref<1x!tpu.dma_semaphore, #tpu.memory_space<semaphore_mem>> -> memref<!tpu.dma_semaphore, #tpu.memory_space<semaphore_mem>>
      %dma_wait3A_262 = arith.constant 0 : i32
      %dma_wait3A_263 = arith.constant 0 : i32
      %dma_wait3A_264 = tpu.memref_slice %arg6[%dma_wait3A_250, %dma_wait3A_262, %dma_wait3A_263] : memref<4x200x64xf32, #tpu.memory_space<vmem>> -> memref<1x200x64xf32, #tpu.memory_space<vmem>>
      %dma_wait3A_265 = tpu.memref_squeeze %dma_wait3A_264 : memref<1x200x64xf32, #tpu.memory_space<vmem>> -> memref<200x64xf32, #tpu.memory_space<vmem>>
      %dma_wait3A_266 = arith.constant 0 : i32
      %dma_wait3A_267 = arith.constant 0 : i32
      %dma_wait3A_268 = tpu.memref_slice %arg4[%add3A_249, %dma_wait3A_266, %dma_wait3A_267] : memref<4096x200x128xf32, #tpu.memory_space<hbm>> -> memref<1x200x64xf32, #tpu.memory_space<hbm>>
      %dma_wait3A_269 = tpu.memref_squeeze %dma_wait3A_268 : memref<1x200x64xf32, #tpu.memory_space<hbm>> -> memref<200x64xf32, #tpu.memory_space<hbm>>
      tpu.wait_dma2 semaphore(%dma_wait3A_261 : memref<!tpu.dma_semaphore, #tpu.memory_space<semaphore_mem>>) src(%dma_wait3A_269 : memref<200x64xf32, #tpu.memory_space<hbm>>) dst(%dma_wait3A_265 : memref<200x64xf32, #tpu.memory_space<vmem>>)
      %scan3A_270 = arith.constant 0 : i32
      %scan3A_271 = arith.constant 0 : i32
      %scan3A_272 = arith.constant 100 : i32
      %scan3A_273 = arith.addi %scan3A_271, %scan3A_272 : i32
      %scan3A_274 = arith.constant 1 : i32
      %scan3A_275 = scf.for %scan3A_432 = %scan3A_271 to %scan3A_273 step %scan3A_274 iter_args(%scan3A_433 = %scan3A_270) -> (i32)  : i32 {
        %mul3A_434 = arith.constant 2 : i32
        %mul3A_435 = arith.muli %scan3A_432, %mul3A_434 : i32
        %add3A_436 = arith.constant 0 : i32
        %add3A_437 = arith.addi %mul3A_435, %add3A_436 : i32
        %get3A = arith.constant 1 : i32
        %get3A_438 = arith.index_cast %get3A : i32 to index
        %get3A_439 = arith.index_cast %add3A_437 : i32 to index
        %get3A_440 = arith.constant 0 : index
        %get3A_441 = tpu.vector_load %arg6[%get3A_438, %get3A_439, %get3A_440] {strides = array<i32>} : memref<4x200x64xf32, #tpu.memory_space<vmem>>, vector<1x1x16xf32>,
        %get3A_442 = vector.shape_cast %get3A_441 : vector<1x1x16xf32> to vector<16xf32>
        %mul3A_443 = arith.constant 8.000000e+00 : f32
        %mul3A_444 = vector.broadcast %mul3A_443 : f32 to vector<16xf32>
        %mul3A_445 = arith.mulf %get3A_442, %mul3A_444 : vector<16xf32>
        %mul3A_446 = arith.constant 2 : i32
        %mul3A_447 = arith.muli %scan3A_432, %mul3A_446 : i32
        %add3A_448 = arith.constant 0 : i32
        %add3A_449 = arith.addi %mul3A_447, %add3A_448 : i32
        %swap3A = arith.constant 1 : i32
        %swap3A_450 = arith.index_cast %swap3A : i32 to index
        %swap3A_451 = arith.index_cast %add3A_449 : i32 to index
        %swap3A_452 = arith.constant 0 : index
        %swap3A_453 = tpu.vector_load %arg6[%swap3A_450, %swap3A_451, %swap3A_452] {strides = array<i32>} : memref<4x200x64xf32, #tpu.memory_space<vmem>>, vector<1x1x16xf32>,
        %swap3A_454 = vector.shape_cast %swap3A_453 : vector<1x1x16xf32> to vector<16xf32>
        %swap3A_455 = vector.shape_cast %mul3A_445 : vector<16xf32> to vector<1x1x16xf32>
        tpu.vector_store %arg6[%swap3A_450, %swap3A_451, %swap3A_452], %swap3A_455 {strides = array<i32>} : memref<4x200x64xf32, #tpu.memory_space<vmem>>, vector<1x1x16xf32>,
        %mul3A_456 = arith.constant 2 : i32
        %mul3A_457 = arith.muli %scan3A_432, %mul3A_456 : i32
        %add3A_458 = arith.constant 0 : i32
        %add3A_459 = arith.addi %mul3A_457, %add3A_458 : i32
        %get3A_460 = arith.constant 1 : i32
        %get3A_461 = arith.index_cast %get3A_460 : i32 to index
        %get3A_462 = arith.index_cast %add3A_459 : i32 to index
        %get3A_463 = arith.constant 16 : index
        %get3A_464 = tpu.vector_load %arg6[%get3A_461, %get3A_462, %get3A_463] {strides = array<i32>} : memref<4x200x64xf32, #tpu.memory_space<vmem>>, vector<1x1x16xf32>,
        %get3A_465 = vector.shape_cast %get3A_464 : vector<1x1x16xf32> to vector<16xf32>
        %mul3A_466 = arith.constant 8.000000e+00 : f32
        %mul3A_467 = vector.broadcast %mul3A_466 : f32 to vector<16xf32>
        %mul3A_468 = arith.mulf %get3A_465, %mul3A_467 : vector<16xf32>
        %mul3A_469 = arith.constant 2 : i32
        %mul3A_470 = arith.muli %scan3A_432, %mul3A_469 : i32
        %add3A_471 = arith.constant 0 : i32
        %add3A_472 = arith.addi %mul3A_470, %add3A_471 : i32
        %swap3A_473 = arith.constant 1 : i32
        %swap3A_474 = arith.index_cast %swap3A_473 : i32 to index
        %swap3A_475 = arith.index_cast %add3A_472 : i32 to index
        %swap3A_476 = arith.constant 16 : index
        %swap3A_477 = tpu.vector_load %arg6[%swap3A_474, %swap3A_475, %swap3A_476] {strides = array<i32>} : memref<4x200x64xf32, #tpu.memory_space<vmem>>, vector<1x1x16xf32>,
        %swap3A_478 = vector.shape_cast %swap3A_477 : vector<1x1x16xf32> to vector<16xf32>
        %swap3A_479 = vector.shape_cast %mul3A_468 : vector<16xf32> to vector<1x1x16xf32>
        tpu.vector_store %arg6[%swap3A_474, %swap3A_475, %swap3A_476], %swap3A_479 {strides = array<i32>} : memref<4x200x64xf32, #tpu.memory_space<vmem>>, vector<1x1x16xf32>,
        %mul3A_480 = arith.constant 2 : i32
        %mul3A_481 = arith.muli %scan3A_432, %mul3A_480 : i32
        %add3A_482 = arith.constant 0 : i32
        %add3A_483 = arith.addi %mul3A_481, %add3A_482 : i32
        %get3A_484 = arith.constant 1 : i32
        %get3A_485 = arith.index_cast %get3A_484 : i32 to index
        %get3A_486 = arith.index_cast %add3A_483 : i32 to index
        %get3A_487 = arith.constant 32 : index
        %get3A_488 = tpu.vector_load %arg6[%get3A_485, %get3A_486, %get3A_487] {strides = array<i32>} : memref<4x200x64xf32, #tpu.memory_space<vmem>>, vector<1x1x16xf32>,
        %get3A_489 = vector.shape_cast %get3A_488 : vector<1x1x16xf32> to vector<16xf32>
        %mul3A_490 = arith.constant 8.000000e+00 : f32
        %mul3A_491 = vector.broadcast %mul3A_490 : f32 to vector<16xf32>
        %mul3A_492 = arith.mulf %get3A_489, %mul3A_491 : vector<16xf32>
        %mul3A_493 = arith.constant 2 : i32
        %mul3A_494 = arith.muli %scan3A_432, %mul3A_493 : i32
        %add3A_495 = arith.constant 0 : i32
        %add3A_496 = arith.addi %mul3A_494, %add3A_495 : i32
        %swap3A_497 = arith.constant 1 : i32
        %swap3A_498 = arith.index_cast %swap3A_497 : i32 to index
        %swap3A_499 = arith.index_cast %add3A_496 : i32 to index
        %swap3A_500 = arith.constant 32 : index
        %swap3A_501 = tpu.vector_load %arg6[%swap3A_498, %swap3A_499, %swap3A_500] {strides = array<i32>} : memref<4x200x64xf32, #tpu.memory_space<vmem>>, vector<1x1x16xf32>,
        %swap3A_502 = vector.shape_cast %swap3A_501 : vector<1x1x16xf32> to vector<16xf32>
        %swap3A_503 = vector.shape_cast %mul3A_492 : vector<16xf32> to vector<1x1x16xf32>
        tpu.vector_store %arg6[%swap3A_498, %swap3A_499, %swap3A_500], %swap3A_503 {strides = array<i32>} : memref<4x200x64xf32, #tpu.memory_space<vmem>>, vector<1x1x16xf32>,
        %mul3A_504 = arith.constant 2 : i32
        %mul3A_505 = arith.muli %scan3A_432, %mul3A_504 : i32
        %add3A_506 = arith.constant 0 : i32
        %add3A_507 = arith.addi %mul3A_505, %add3A_506 : i32
        %get3A_508 = arith.constant 1 : i32
        %get3A_509 = arith.index_cast %get3A_508 : i32 to index
        %get3A_510 = arith.index_cast %add3A_507 : i32 to index
        %get3A_511 = arith.constant 48 : index
        %get3A_512 = tpu.vector_load %arg6[%get3A_509, %get3A_510, %get3A_511] {strides = array<i32>} : memref<4x200x64xf32, #tpu.memory_space<vmem>>, vector<1x1x16xf32>,
        %get3A_513 = vector.shape_cast %get3A_512 : vector<1x1x16xf32> to vector<16xf32>
        %mul3A_514 = arith.constant 8.000000e+00 : f32
        %mul3A_515 = vector.broadcast %mul3A_514 : f32 to vector<16xf32>
        %mul3A_516 = arith.mulf %get3A_513, %mul3A_515 : vector<16xf32>
        %mul3A_517 = arith.constant 2 : i32
        %mul3A_518 = arith.muli %scan3A_432, %mul3A_517 : i32
        %add3A_519 = arith.constant 0 : i32
        %add3A_520 = arith.addi %mul3A_518, %add3A_519 : i32
        %swap3A_521 = arith.constant 1 : i32
        %swap3A_522 = arith.index_cast %swap3A_521 : i32 to index
        %swap3A_523 = arith.index_cast %add3A_520 : i32 to index
        %swap3A_524 = arith.constant 48 : index
        %swap3A_525 = tpu.vector_load %arg6[%swap3A_522, %swap3A_523, %swap3A_524] {strides = array<i32>} : memref<4x200x64xf32, #tpu.memory_space<vmem>>, vector<1x1x16xf32>,
        %swap3A_526 = vector.shape_cast %swap3A_525 : vector<1x1x16xf32> to vector<16xf32>
        %swap3A_527 = vector.shape_cast %mul3A_516 : vector<16xf32> to vector<1x1x16xf32>
        tpu.vector_store %arg6[%swap3A_522, %swap3A_523, %swap3A_524], %swap3A_527 {strides = array<i32>} : memref<4x200x64xf32, #tpu.memory_space<vmem>>, vector<1x1x16xf32>,
        %mul3A_528 = arith.constant 2 : i32
        %mul3A_529 = arith.muli %scan3A_432, %mul3A_528 : i32
        %add3A_530 = arith.constant 1 : i32
        %add3A_531 = arith.addi %mul3A_529, %add3A_530 : i32
        %get3A_532 = arith.constant 1 : i32
        %get3A_533 = arith.index_cast %get3A_532 : i32 to index
        %get3A_534 = arith.index_cast %add3A_531 : i32 to index
        %get3A_535 = arith.constant 0 : index
        %get3A_536 = tpu.vector_load %arg6[%get3A_533, %get3A_534, %get3A_535] {strides = array<i32>} : memref<4x200x64xf32, #tpu.memory_space<vmem>>, vector<1x1x16xf32>,
        %get3A_537 = vector.shape_cast %get3A_536 : vector<1x1x16xf32> to vector<16xf32>
        %mul3A_538 = arith.constant 8.000000e+00 : f32
        %mul3A_539 = vector.broadcast %mul3A_538 : f32 to vector<16xf32>
        %mul3A_540 = arith.mulf %get3A_537, %mul3A_539 : vector<16xf32>
        %mul3A_541 = arith.constant 2 : i32
        %mul3A_542 = arith.muli %scan3A_432, %mul3A_541 : i32
        %add3A_543 = arith.constant 1 : i32
        %add3A_544 = arith.addi %mul3A_542, %add3A_543 : i32
        %swap3A_545 = arith.constant 1 : i32
        %swap3A_546 = arith.index_cast %swap3A_545 : i32 to index
        %swap3A_547 = arith.index_cast %add3A_544 : i32 to index
        %swap3A_548 = arith.constant 0 : index
        %swap3A_549 = tpu.vector_load %arg6[%swap3A_546, %swap3A_547, %swap3A_548] {strides = array<i32>} : memref<4x200x64xf32, #tpu.memory_space<vmem>>, vector<1x1x16xf32>,
        %swap3A_550 = vector.shape_cast %swap3A_549 : vector<1x1x16xf32> to vector<16xf32>
        %swap3A_551 = vector.shape_cast %mul3A_540 : vector<16xf32> to vector<1x1x16xf32>
        tpu.vector_store %arg6[%swap3A_546, %swap3A_547, %swap3A_548], %swap3A_551 {strides = array<i32>} : memref<4x200x64xf32, #tpu.memory_space<vmem>>, vector<1x1x16xf32>,
        %mul3A_552 = arith.constant 2 : i32
        %mul3A_553 = arith.muli %scan3A_432, %mul3A_552 : i32
        %add3A_554 = arith.constant 1 : i32
        %add3A_555 = arith.addi %mul3A_553, %add3A_554 : i32
        %get3A_556 = arith.constant 1 : i32
        %get3A_557 = arith.index_cast %get3A_556 : i32 to index
        %get3A_558 = arith.index_cast %add3A_555 : i32 to index
        %get3A_559 = arith.constant 16 : index
        %get3A_560 = tpu.vector_load %arg6[%get3A_557, %get3A_558, %get3A_559] {strides = array<i32>} : memref<4x200x64xf32, #tpu.memory_space<vmem>>, vector<1x1x16xf32>,
        %get3A_561 = vector.shape_cast %get3A_560 : vector<1x1x16xf32> to vector<16xf32>
        %mul3A_562 = arith.constant 8.000000e+00 : f32
        %mul3A_563 = vector.broadcast %mul3A_562 : f32 to vector<16xf32>
        %mul3A_564 = arith.mulf %get3A_561, %mul3A_563 : vector<16xf32>
        %mul3A_565 = arith.constant 2 : i32
        %mul3A_566 = arith.muli %scan3A_432, %mul3A_565 : i32
        %add3A_567 = arith.constant 1 : i32
        %add3A_568 = arith.addi %mul3A_566, %add3A_567 : i32
        %swap3A_569 = arith.constant 1 : i32
        %swap3A_570 = arith.index_cast %swap3A_569 : i32 to index
        %swap3A_571 = arith.index_cast %add3A_568 : i32 to index
        %swap3A_572 = arith.constant 16 : index
        %swap3A_573 = tpu.vector_load %arg6[%swap3A_570, %swap3A_571, %swap3A_572] {strides = array<i32>} : memref<4x200x64xf32, #tpu.memory_space<vmem>>, vector<1x1x16xf32>,
        %swap3A_574 = vector.shape_cast %swap3A_573 : vector<1x1x16xf32> to vector<16xf32>
        %swap3A_575 = vector.shape_cast %mul3A_564 : vector<16xf32> to vector<1x1x16xf32>
        tpu.vector_store %arg6[%swap3A_570, %swap3A_571, %swap3A_572], %swap3A_575 {strides = array<i32>} : memref<4x200x64xf32, #tpu.memory_space<vmem>>, vector<1x1x16xf32>,
        %mul3A_576 = arith.constant 2 : i32
        %mul3A_577 = arith.muli %scan3A_432, %mul3A_576 : i32
        %add3A_578 = arith.constant 1 : i32
        %add3A_579 = arith.addi %mul3A_577, %add3A_578 : i32
        %get3A_580 = arith.constant 1 : i32
        %get3A_581 = arith.index_cast %get3A_580 : i32 to index
        %get3A_582 = arith.index_cast %add3A_579 : i32 to index
        %get3A_583 = arith.constant 32 : index
        %get3A_584 = tpu.vector_load %arg6[%get3A_581, %get3A_582, %get3A_583] {strides = array<i32>} : memref<4x200x64xf32, #tpu.memory_space<vmem>>, vector<1x1x16xf32>,
        %get3A_585 = vector.shape_cast %get3A_584 : vector<1x1x16xf32> to vector<16xf32>
        %mul3A_586 = arith.constant 8.000000e+00 : f32
        %mul3A_587 = vector.broadcast %mul3A_586 : f32 to vector<16xf32>
        %mul3A_588 = arith.mulf %get3A_585, %mul3A_587 : vector<16xf32>
        %mul3A_589 = arith.constant 2 : i32
        %mul3A_590 = arith.muli %scan3A_432, %mul3A_589 : i32
        %add3A_591 = arith.constant 1 : i32
        %add3A_592 = arith.addi %mul3A_590, %add3A_591 : i32
        %swap3A_593 = arith.constant 1 : i32
        %swap3A_594 = arith.index_cast %swap3A_593 : i32 to index
        %swap3A_595 = arith.index_cast %add3A_592 : i32 to index
        %swap3A_596 = arith.constant 32 : index
        %swap3A_597 = tpu.vector_load %arg6[%swap3A_594, %swap3A_595, %swap3A_596] {strides = array<i32>} : memref<4x200x64xf32, #tpu.memory_space<vmem>>, vector<1x1x16xf32>,
        %swap3A_598 = vector.shape_cast %swap3A_597 : vector<1x1x16xf32> to vector<16xf32>
        %swap3A_599 = vector.shape_cast %mul3A_588 : vector<16xf32> to vector<1x1x16xf32>
        tpu.vector_store %arg6[%swap3A_594, %swap3A_595, %swap3A_596], %swap3A_599 {strides = array<i32>} : memref<4x200x64xf32, #tpu.memory_space<vmem>>, vector<1x1x16xf32>,
        %mul3A_600 = arith.constant 2 : i32
        %mul3A_601 = arith.muli %scan3A_432, %mul3A_600 : i32
        %add3A_602 = arith.constant 1 : i32
        %add3A_603 = arith.addi %mul3A_601, %add3A_602 : i32
        %get3A_604 = arith.constant 1 : i32
        %get3A_605 = arith.index_cast %get3A_604 : i32 to index
        %get3A_606 = arith.index_cast %add3A_603 : i32 to index
        %get3A_607 = arith.constant 48 : index
        %get3A_608 = tpu.vector_load %arg6[%get3A_605, %get3A_606, %get3A_607] {strides = array<i32>} : memref<4x200x64xf32, #tpu.memory_space<vmem>>, vector<1x1x16xf32>,
        %get3A_609 = vector.shape_cast %get3A_608 : vector<1x1x16xf32> to vector<16xf32>
        %mul3A_610 = arith.constant 8.000000e+00 : f32
        %mul3A_611 = vector.broadcast %mul3A_610 : f32 to vector<16xf32>
        %mul3A_612 = arith.mulf %get3A_609, %mul3A_611 : vector<16xf32>
        %mul3A_613 = arith.constant 2 : i32
        %mul3A_614 = arith.muli %scan3A_432, %mul3A_613 : i32
        %add3A_615 = arith.constant 1 : i32
        %add3A_616 = arith.addi %mul3A_614, %add3A_615 : i32
        %swap3A_617 = arith.constant 1 : i32
        %swap3A_618 = arith.index_cast %swap3A_617 : i32 to index
        %swap3A_619 = arith.index_cast %add3A_616 : i32 to index
        %swap3A_620 = arith.constant 48 : index
        %swap3A_621 = tpu.vector_load %arg6[%swap3A_618, %swap3A_619, %swap3A_620] {strides = array<i32>} : memref<4x200x64xf32, #tpu.memory_space<vmem>>, vector<1x1x16xf32>,
        %swap3A_622 = vector.shape_cast %swap3A_621 : vector<1x1x16xf32> to vector<16xf32>
        %swap3A_623 = vector.shape_cast %mul3A_612 : vector<16xf32> to vector<1x1x16xf32>
        tpu.vector_store %arg6[%swap3A_618, %swap3A_619, %swap3A_620], %swap3A_623 {strides = array<i32>} : memref<4x200x64xf32, #tpu.memory_space<vmem>>, vector<1x1x16xf32>,
        %scan3A_624 = arith.constant 0 : i32
        scf.yield %scan3A_624 : i32
      }
      %scan3A_276 = arith.constant 100 : i32
      %add3A_277 = arith.constant 4 : i32
      %add3A_278 = arith.addi %add3A_248, %add3A_277 : i32
      %sub3A_279 = arith.constant 1 : i32
      %sub3A_280 = arith.subi %add3A_278, %sub3A_279 : i32
      %lt3A_281 = arith.constant 128 : i32
      %lt3A_282 = arith.cmpi slt, %sub3A_280, %lt3A_281 : i32
      %convert_element_type3A_283 = arith.extui %lt3A_282 : i1 to i32
      %cond3A_284 = arith.constant 0 : i32
      %cond3A_285 = arith.cmpi ne, %convert_element_type3A_283, %cond3A_284 : i32
      scf.if %cond3A_285 {
        %ge3A = arith.constant 1 : i32
        %ge3A_432 = arith.cmpi sge, %add3A_248, %ge3A : i32
        %convert_element_type3A_433 = arith.extui %ge3A_432 : i1 to i32
        %cond3A_434 = arith.constant 0 : i32
        %cond3A_435 = arith.cmpi ne, %convert_element_type3A_433, %cond3A_434 : i32
        scf.if %cond3A_435 {
          %sub3A_464 = arith.constant 1 : i32
          %sub3A_465 = arith.subi %add3A_248, %sub3A_464 : i32
          %add3A_466 = arith.addi %mul3A_2, %sub3A_465 : i32
          %dma_wait3A_467 = arith.constant 0 : i32
          %dma_wait3A_468 = arith.constant 0 : i32
          %dma_wait3A_469 = arith.constant 0 : i32
          %dma_wait3A_470 = arith.constant 0 : i32
          %dma_wait3A_471 = tpu.memref_slice %arg6[%dma_wait3A_467, %dma_wait3A_469, %dma_wait3A_470] : memref<4x200x64xf32, #tpu.memory_space<vmem>> -> memref<1x200x64xf32, #tpu.memory_space<vmem>>
          %dma_wait3A_472 = tpu.memref_squeeze %dma_wait3A_471 : memref<1x200x64xf32, #tpu.memory_space<vmem>> -> memref<200x64xf32, #tpu.memory_space<vmem>>
          %dma_wait3A_473 = arith.constant 0 : i32
          %dma_wait3A_474 = arith.constant 0 : i32
          %dma_wait3A_475 = tpu.memref_slice %arg4[%add3A_466, %dma_wait3A_473, %dma_wait3A_474] : memref<4096x200x128xf32, #tpu.memory_space<hbm>> -> memref<1x200x64xf32, #tpu.memory_space<hbm>>
          %dma_wait3A_476 = tpu.memref_squeeze %dma_wait3A_475 : memref<1x200x64xf32, #tpu.memory_space<hbm>> -> memref<200x64xf32, #tpu.memory_space<hbm>>
          %dma_wait3A_477 = tpu.memref_slice %arg8[%dma_wait3A_468] : memref<4x!tpu.dma_semaphore, #tpu.memory_space<semaphore_mem>> -> memref<1x!tpu.dma_semaphore, #tpu.memory_space<semaphore_mem>>
          %dma_wait3A_478 = tpu.memref_squeeze %dma_wait3A_477 : memref<1x!tpu.dma_semaphore, #tpu.memory_space<semaphore_mem>> -> memref<!tpu.dma_semaphore, #tpu.memory_space<semaphore_mem>>
          %dma_wait3A_479 = arith.constant 0 : i32
          %dma_wait3A_480 = arith.constant 0 : i32
          %dma_wait3A_481 = tpu.memref_slice %arg6[%dma_wait3A_467, %dma_wait3A_479, %dma_wait3A_480] : memref<4x200x64xf32, #tpu.memory_space<vmem>> -> memref<1x200x64xf32, #tpu.memory_space<vmem>>
          %dma_wait3A_482 = tpu.memref_squeeze %dma_wait3A_481 : memref<1x200x64xf32, #tpu.memory_space<vmem>> -> memref<200x64xf32, #tpu.memory_space<vmem>>
          %dma_wait3A_483 = arith.constant 0 : i32
          %dma_wait3A_484 = arith.constant 0 : i32
          %dma_wait3A_485 = tpu.memref_slice %arg4[%add3A_466, %dma_wait3A_483, %dma_wait3A_484] : memref<4096x200x128xf32, #tpu.memory_space<hbm>> -> memref<1x200x64xf32, #tpu.memory_space<hbm>>
          %dma_wait3A_486 = tpu.memref_squeeze %dma_wait3A_485 : memref<1x200x64xf32, #tpu.memory_space<hbm>> -> memref<200x64xf32, #tpu.memory_space<hbm>>
          tpu.wait_dma2 semaphore(%dma_wait3A_478 : memref<!tpu.dma_semaphore, #tpu.memory_space<semaphore_mem>>) src(%dma_wait3A_486 : memref<200x64xf32, #tpu.memory_space<hbm>>) dst(%dma_wait3A_482 : memref<200x64xf32, #tpu.memory_space<vmem>>)
        } else {
        }
        %dma_start3A_436 = arith.constant 0 : i32
        %dma_start3A_437 = arith.constant 0 : i32
        %dma_start3A_438 = arith.constant 0 : i32
        %dma_start3A_439 = arith.constant 0 : i32
        %dma_start3A_440 = tpu.memref_slice %arg6[%dma_start3A_436, %dma_start3A_438, %dma_start3A_439] : memref<4x200x64xf32, #tpu.memory_space<vmem>> -> memref<1x128x64xf32, #tpu.memory_space<vmem>>
        %dma_start3A_441 = tpu.memref_squeeze %dma_start3A_440 : memref<1x128x64xf32, #tpu.memory_space<vmem>> -> memref<128x64xf32, #tpu.memory_space<vmem>>
        %dma_start3A_442 = arith.constant 0 : i32
        %dma_start3A_443 = tpu.memref_slice %arg5[%sub3A_280, %dma_start3A_442] : memref<128x256xi32, #tpu.memory_space<vmem>> -> memref<1x128xi32, #tpu.memory_space<vmem>>
        %dma_start3A_444 = tpu.memref_squeeze %dma_start3A_443 : memref<1x128xi32, #tpu.memory_space<vmem>> -> memref<128xi32, #tpu.memory_space<vmem>>
        %dma_start3A_445 = arith.constant 0 : i32
        %dma_start3A_446 = arith.constant 0 : i32
        %dma_start3A_447 = tpu.memref_slice %arg3[%dma_start3A_445, %dma_start3A_446] : memref<1000000x64xf32, #tpu.memory_space<hbm>> -> memref<1000000x64xf32, #tpu.memory_space<hbm>>
        %dma_start3A_448 = tpu.memref_slice %arg7[%dma_start3A_437] : memref<4x!tpu.dma_semaphore, #tpu.memory_space<semaphore_mem>> -> memref<1x!tpu.dma_semaphore, #tpu.memory_space<semaphore_mem>>
        %dma_start3A_449 = tpu.memref_squeeze %dma_start3A_448 : memref<1x!tpu.dma_semaphore, #tpu.memory_space<semaphore_mem>> -> memref<!tpu.dma_semaphore, #tpu.memory_space<semaphore_mem>>
        tpu.enqueue_indirect_dma source(%dma_start3A_447 : memref<1000000x64xf32, #tpu.memory_space<hbm>>) target(%dma_start3A_441 : memref<128x64xf32, #tpu.memory_space<vmem>>) offsets(%dma_start3A_444 : memref<128xi32, #tpu.memory_space<vmem>>) semaphore(%dma_start3A_449 : memref<!tpu.dma_semaphore, #tpu.memory_space<semaphore_mem>>)
        %dma_start3A_450 = arith.constant 0 : i32
        %dma_start3A_451 = arith.constant 0 : i32
        %dma_start3A_452 = arith.constant 128 : i32
        %dma_start3A_453 = arith.constant 0 : i32
        %dma_start3A_454 = tpu.memref_slice %arg6[%dma_start3A_450, %dma_start3A_452, %dma_start3A_453] : memref<4x200x64xf32, #tpu.memory_space<vmem>> -> memref<1x72x64xf32, #tpu.memory_space<vmem>>
        %dma_start3A_455 = tpu.memref_squeeze %dma_start3A_454 : memref<1x72x64xf32, #tpu.memory_space<vmem>> -> memref<72x64xf32, #tpu.memory_space<vmem>>
        %dma_start3A_456 = arith.constant 128 : i32
        %dma_start3A_457 = tpu.memref_slice %arg5[%sub3A_280, %dma_start3A_456] : memref<128x256xi32, #tpu.memory_space<vmem>> -> memref<1x72xi32, #tpu.memory_space<vmem>>
        %dma_start3A_458 = tpu.memref_squeeze %dma_start3A_457 : memref<1x72xi32, #tpu.memory_space<vmem>> -> memref<72xi32, #tpu.memory_space<vmem>>
        %dma_start3A_459 = arith.constant 0 : i32
        %dma_start3A_460 = arith.constant 0 : i32
        %dma_start3A_461 = tpu.memref_slice %arg3[%dma_start3A_459, %dma_start3A_460] : memref<1000000x64xf32, #tpu.memory_space<hbm>> -> memref<1000000x64xf32, #tpu.memory_space<hbm>>
        %dma_start3A_462 = tpu.memref_slice %arg7[%dma_start3A_451] : memref<4x!tpu.dma_semaphore, #tpu.memory_space<semaphore_mem>> -> memref<1x!tpu.dma_semaphore, #tpu.memory_space<semaphore_mem>>
        %dma_start3A_463 = tpu.memref_squeeze %dma_start3A_462 : memref<1x!tpu.dma_semaphore, #tpu.memory_space<semaphore_mem>> -> memref<!tpu.dma_semaphore, #tpu.memory_space<semaphore_mem>>
        tpu.enqueue_indirect_dma source(%dma_start3A_461 : memref<1000000x64xf32, #tpu.memory_space<hbm>>) target(%dma_start3A_455 : memref<72x64xf32, #tpu.memory_space<vmem>>) offsets(%dma_start3A_458 : memref<72xi32, #tpu.memory_space<vmem>>) semaphore(%dma_start3A_463 : memref<!tpu.dma_semaphore, #tpu.memory_space<semaphore_mem>>)
      } else {
      }
      %add3A_286 = arith.addi %mul3A_2, %add3A_248 : i32
      %dma_start3A_287 = arith.constant 1 : i32
      %dma_start3A_288 = arith.constant 1 : i32
      %dma_start3A_289 = arith.constant 0 : i32
      %dma_start3A_290 = arith.constant 0 : i32
      %dma_start3A_291 = tpu.memref_slice %arg6[%dma_start3A_287, %dma_start3A_289, %dma_start3A_290] : memref<4x200x64xf32, #tpu.memory_space<vmem>> -> memref<1x200x64xf32, #tpu.memory_space<vmem>>
      %dma_start3A_292 = tpu.memref_squeeze %dma_start3A_291 : memref<1x200x64xf32, #tpu.memory_space<vmem>> -> memref<200x64xf32, #tpu.memory_space<vmem>>
      %dma_start3A_293 = arith.constant 0 : i32
      %dma_start3A_294 = arith.constant 0 : i32
      %dma_start3A_295 = tpu.memref_slice %arg4[%add3A_286, %dma_start3A_293, %dma_start3A_294] : memref<4096x200x128xf32, #tpu.memory_space<hbm>> -> memref<1x200x64xf32, #tpu.memory_space<hbm>>
      %dma_start3A_296 = tpu.memref_squeeze %dma_start3A_295 : memref<1x200x64xf32, #tpu.memory_space<hbm>> -> memref<200x64xf32, #tpu.memory_space<hbm>>
      %dma_start3A_297 = tpu.memref_slice %arg8[%dma_start3A_288] : memref<4x!tpu.dma_semaphore, #tpu.memory_space<semaphore_mem>> -> memref<1x!tpu.dma_semaphore, #tpu.memory_space<semaphore_mem>>
      %dma_start3A_298 = tpu.memref_squeeze %dma_start3A_297 : memref<1x!tpu.dma_semaphore, #tpu.memory_space<semaphore_mem>> -> memref<!tpu.dma_semaphore, #tpu.memory_space<semaphore_mem>>
      %dma_start3A_299 = arith.constant 0 : i32
      %dma_start3A_300 = arith.constant 0 : i32
      %dma_start3A_301 = tpu.memref_slice %arg4[%add3A_286, %dma_start3A_299, %dma_start3A_300] : memref<4096x200x128xf32, #tpu.memory_space<hbm>> -> memref<1x200x64xf32, #tpu.memory_space<hbm>>
      %dma_start3A_302 = tpu.memref_squeeze %dma_start3A_301 : memref<1x200x64xf32, #tpu.memory_space<hbm>> -> memref<200x64xf32, #tpu.memory_space<hbm>>
      %dma_start3A_303 = arith.constant 0 : i32
      %dma_start3A_304 = arith.constant 0 : i32
      %dma_start3A_305 = tpu.memref_slice %arg6[%dma_start3A_287, %dma_start3A_303, %dma_start3A_304] : memref<4x200x64xf32, #tpu.memory_space<vmem>> -> memref<1x200x64xf32, #tpu.memory_space<vmem>>
      %dma_start3A_306 = tpu.memref_squeeze %dma_start3A_305 : memref<1x200x64xf32, #tpu.memory_space<vmem>> -> memref<200x64xf32, #tpu.memory_space<vmem>>
      tpu.enqueue_dma source(%dma_start3A_306 : memref<200x64xf32, #tpu.memory_space<vmem>>) target(%dma_start3A_302 : memref<200x64xf32, #tpu.memory_space<hbm>>) target_semaphore(%dma_start3A_298 : memref<!tpu.dma_semaphore, #tpu.memory_space<semaphore_mem>>)
      %mul3A_307 = arith.constant 4 : i32
      %mul3A_308 = arith.muli %scan3A_185, %mul3A_307 : i32
      %add3A_309 = arith.constant 2 : i32
      %add3A_310 = arith.addi %mul3A_308, %add3A_309 : i32
      %add3A_311 = arith.addi %mul3A_2, %add3A_310 : i32
      %dma_wait3A_312 = arith.constant 2 : i32
      %dma_wait3A_313 = arith.constant 2 : i32
      %dma_wait3A_314 = arith.constant 0 : i32
      %dma_wait3A_315 = arith.constant 0 : i32
      %dma_wait3A_316 = tpu.memref_slice %arg6[%dma_wait3A_312, %dma_wait3A_314, %dma_wait3A_315] : memref<4x200x64xf32, #tpu.memory_space<vmem>> -> memref<1x200x64xf32, #tpu.memory_space<vmem>>
      %dma_wait3A_317 = tpu.memref_squeeze %dma_wait3A_316 : memref<1x200x64xf32, #tpu.memory_space<vmem>> -> memref<200x64xf32, #tpu.memory_space<vmem>>
      %dma_wait3A_318 = arith.constant 0 : i32
      %dma_wait3A_319 = arith.constant 0 : i32
      %dma_wait3A_320 = tpu.memref_slice %arg4[%add3A_311, %dma_wait3A_318, %dma_wait3A_319] : memref<4096x200x128xf32, #tpu.memory_space<hbm>> -> memref<1x200x64xf32, #tpu.memory_space<hbm>>
      %dma_wait3A_321 = tpu.memref_squeeze %dma_wait3A_320 : memref<1x200x64xf32, #tpu.memory_space<hbm>> -> memref<200x64xf32, #tpu.memory_space<hbm>>
      %dma_wait3A_322 = tpu.memref_slice %arg7[%dma_wait3A_313] : memref<4x!tpu.dma_semaphore, #tpu.memory_space<semaphore_mem>> -> memref<1x!tpu.dma_semaphore, #tpu.memory_space<semaphore_mem>>
      %dma_wait3A_323 = tpu.memref_squeeze %dma_wait3A_322 : memref<1x!tpu.dma_semaphore, #tpu.memory_space<semaphore_mem>> -> memref<!tpu.dma_semaphore, #tpu.memory_space<semaphore_mem>>
      %dma_wait3A_324 = arith.constant 0 : i32
      %dma_wait3A_325 = arith.constant 0 : i32
      %dma_wait3A_326 = tpu.memref_slice %arg6[%dma_wait3A_312, %dma_wait3A_324, %dma_wait3A_325] : memref<4x200x64xf32, #tpu.memory_space<vmem>> -> memref<1x200x64xf32, #tpu.memory_space<vmem>>
      %dma_wait3A_327 = tpu.memref_squeeze %dma_wait3A_326 : memref<1x200x64xf32, #tpu.memory_space<vmem>> -> memref<200x64xf32, #tpu.memory_space<vmem>>
      %dma_wait3A_328 = arith.constant 0 : i32
      %dma_wait3A_329 = arith.constant 0 : i32
      %dma_wait3A_330 = tpu.memref_slice %arg4[%add3A_311, %dma_wait3A_328, %dma_wait3A_329] : memref<4096x200x128xf32, #tpu.memory_space<hbm>> -> memref<1x200x64xf32, #tpu.memory_space<hbm>>
      %dma_wait3A_331 = tpu.memref_squeeze %dma_wait3A_330 : memref<1x200x64xf32, #tpu.memory_space<hbm>> -> memref<200x64xf32, #tpu.memory_space<hbm>>
      tpu.wait_dma2 semaphore(%dma_wait3A_323 : memref<!tpu.dma_semaphore, #tpu.memory_space<semaphore_mem>>) src(%dma_wait3A_331 : memref<200x64xf32, #tpu.memory_space<hbm>>) dst(%dma_wait3A_327 : memref<200x64xf32, #tpu.memory_space<vmem>>)
      %scan3A_332 = arith.constant 0 : i32
      %scan3A_333 = arith.constant 0 : i32
      %scan3A_334 = arith.constant 100 : i32
      %scan3A_335 = arith.addi %scan3A_333, %scan3A_334 : i32
      %scan3A_336 = arith.constant 1 : i32
      %scan3A_337 = scf.for %scan3A_432 = %scan3A_333 to %scan3A_335 step %scan3A_336 iter_args(%scan3A_433 = %scan3A_332) -> (i32)  : i32 {
        %mul3A_434 = arith.constant 2 : i32
        %mul3A_435 = arith.muli %scan3A_432, %mul3A_434 : i32
        %add3A_436 = arith.constant 0 : i32
        %add3A_437 = arith.addi %mul3A_435, %add3A_436 : i32
        %get3A = arith.constant 2 : i32
        %get3A_438 = arith.index_cast %get3A : i32 to index
        %get3A_439 = arith.index_cast %add3A_437 : i32 to index
        %get3A_440 = arith.constant 0 : index
        %get3A_441 = tpu.vector_load %arg6[%get3A_438, %get3A_439, %get3A_440] {strides = array<i32>} : memref<4x200x64xf32, #tpu.memory_space<vmem>>, vector<1x1x16xf32>,
        %get3A_442 = vector.shape_cast %get3A_441 : vector<1x1x16xf32> to vector<16xf32>
        %mul3A_443 = arith.constant 8.000000e+00 : f32
        %mul3A_444 = vector.broadcast %mul3A_443 : f32 to vector<16xf32>
        %mul3A_445 = arith.mulf %get3A_442, %mul3A_444 : vector<16xf32>
        %mul3A_446 = arith.constant 2 : i32
        %mul3A_447 = arith.muli %scan3A_432, %mul3A_446 : i32
        %add3A_448 = arith.constant 0 : i32
        %add3A_449 = arith.addi %mul3A_447, %add3A_448 : i32
        %swap3A = arith.constant 2 : i32
        %swap3A_450 = arith.index_cast %swap3A : i32 to index
        %swap3A_451 = arith.index_cast %add3A_449 : i32 to index
        %swap3A_452 = arith.constant 0 : index
        %swap3A_453 = tpu.vector_load %arg6[%swap3A_450, %swap3A_451, %swap3A_452] {strides = array<i32>} : memref<4x200x64xf32, #tpu.memory_space<vmem>>, vector<1x1x16xf32>,
        %swap3A_454 = vector.shape_cast %swap3A_453 : vector<1x1x16xf32> to vector<16xf32>
        %swap3A_455 = vector.shape_cast %mul3A_445 : vector<16xf32> to vector<1x1x16xf32>
        tpu.vector_store %arg6[%swap3A_450, %swap3A_451, %swap3A_452], %swap3A_455 {strides = array<i32>} : memref<4x200x64xf32, #tpu.memory_space<vmem>>, vector<1x1x16xf32>,
        %mul3A_456 = arith.constant 2 : i32
        %mul3A_457 = arith.muli %scan3A_432, %mul3A_456 : i32
        %add3A_458 = arith.constant 0 : i32
        %add3A_459 = arith.addi %mul3A_457, %add3A_458 : i32
        %get3A_460 = arith.constant 2 : i32
        %get3A_461 = arith.index_cast %get3A_460 : i32 to index
        %get3A_462 = arith.index_cast %add3A_459 : i32 to index
        %get3A_463 = arith.constant 16 : index
        %get3A_464 = tpu.vector_load %arg6[%get3A_461, %get3A_462, %get3A_463] {strides = array<i32>} : memref<4x200x64xf32, #tpu.memory_space<vmem>>, vector<1x1x16xf32>,
        %get3A_465 = vector.shape_cast %get3A_464 : vector<1x1x16xf32> to vector<16xf32>
        %mul3A_466 = arith.constant 8.000000e+00 : f32
        %mul3A_467 = vector.broadcast %mul3A_466 : f32 to vector<16xf32>
        %mul3A_468 = arith.mulf %get3A_465, %mul3A_467 : vector<16xf32>
        %mul3A_469 = arith.constant 2 : i32
        %mul3A_470 = arith.muli %scan3A_432, %mul3A_469 : i32
        %add3A_471 = arith.constant 0 : i32
        %add3A_472 = arith.addi %mul3A_470, %add3A_471 : i32
        %swap3A_473 = arith.constant 2 : i32
        %swap3A_474 = arith.index_cast %swap3A_473 : i32 to index
        %swap3A_475 = arith.index_cast %add3A_472 : i32 to index
        %swap3A_476 = arith.constant 16 : index
        %swap3A_477 = tpu.vector_load %arg6[%swap3A_474, %swap3A_475, %swap3A_476] {strides = array<i32>} : memref<4x200x64xf32, #tpu.memory_space<vmem>>, vector<1x1x16xf32>,
        %swap3A_478 = vector.shape_cast %swap3A_477 : vector<1x1x16xf32> to vector<16xf32>
        %swap3A_479 = vector.shape_cast %mul3A_468 : vector<16xf32> to vector<1x1x16xf32>
        tpu.vector_store %arg6[%swap3A_474, %swap3A_475, %swap3A_476], %swap3A_479 {strides = array<i32>} : memref<4x200x64xf32, #tpu.memory_space<vmem>>, vector<1x1x16xf32>,
        %mul3A_480 = arith.constant 2 : i32
        %mul3A_481 = arith.muli %scan3A_432, %mul3A_480 : i32
        %add3A_482 = arith.constant 0 : i32
        %add3A_483 = arith.addi %mul3A_481, %add3A_482 : i32
        %get3A_484 = arith.constant 2 : i32
        %get3A_485 = arith.index_cast %get3A_484 : i32 to index
        %get3A_486 = arith.index_cast %add3A_483 : i32 to index
        %get3A_487 = arith.constant 32 : index
        %get3A_488 = tpu.vector_load %arg6[%get3A_485, %get3A_486, %get3A_487] {strides = array<i32>} : memref<4x200x64xf32, #tpu.memory_space<vmem>>, vector<1x1x16xf32>,
        %get3A_489 = vector.shape_cast %get3A_488 : vector<1x1x16xf32> to vector<16xf32>
        %mul3A_490 = arith.constant 8.000000e+00 : f32
        %mul3A_491 = vector.broadcast %mul3A_490 : f32 to vector<16xf32>
        %mul3A_492 = arith.mulf %get3A_489, %mul3A_491 : vector<16xf32>
        %mul3A_493 = arith.constant 2 : i32
        %mul3A_494 = arith.muli %scan3A_432, %mul3A_493 : i32
        %add3A_495 = arith.constant 0 : i32
        %add3A_496 = arith.addi %mul3A_494, %add3A_495 : i32
        %swap3A_497 = arith.constant 2 : i32
        %swap3A_498 = arith.index_cast %swap3A_497 : i32 to index
        %swap3A_499 = arith.index_cast %add3A_496 : i32 to index
        %swap3A_500 = arith.constant 32 : index
        %swap3A_501 = tpu.vector_load %arg6[%swap3A_498, %swap3A_499, %swap3A_500] {strides = array<i32>} : memref<4x200x64xf32, #tpu.memory_space<vmem>>, vector<1x1x16xf32>,
        %swap3A_502 = vector.shape_cast %swap3A_501 : vector<1x1x16xf32> to vector<16xf32>
        %swap3A_503 = vector.shape_cast %mul3A_492 : vector<16xf32> to vector<1x1x16xf32>
        tpu.vector_store %arg6[%swap3A_498, %swap3A_499, %swap3A_500], %swap3A_503 {strides = array<i32>} : memref<4x200x64xf32, #tpu.memory_space<vmem>>, vector<1x1x16xf32>,
        %mul3A_504 = arith.constant 2 : i32
        %mul3A_505 = arith.muli %scan3A_432, %mul3A_504 : i32
        %add3A_506 = arith.constant 0 : i32
        %add3A_507 = arith.addi %mul3A_505, %add3A_506 : i32
        %get3A_508 = arith.constant 2 : i32
        %get3A_509 = arith.index_cast %get3A_508 : i32 to index
        %get3A_510 = arith.index_cast %add3A_507 : i32 to index
        %get3A_511 = arith.constant 48 : index
        %get3A_512 = tpu.vector_load %arg6[%get3A_509, %get3A_510, %get3A_511] {strides = array<i32>} : memref<4x200x64xf32, #tpu.memory_space<vmem>>, vector<1x1x16xf32>,
        %get3A_513 = vector.shape_cast %get3A_512 : vector<1x1x16xf32> to vector<16xf32>
        %mul3A_514 = arith.constant 8.000000e+00 : f32
        %mul3A_515 = vector.broadcast %mul3A_514 : f32 to vector<16xf32>
        %mul3A_516 = arith.mulf %get3A_513, %mul3A_515 : vector<16xf32>
        %mul3A_517 = arith.constant 2 : i32
        %mul3A_518 = arith.muli %scan3A_432, %mul3A_517 : i32
        %add3A_519 = arith.constant 0 : i32
        %add3A_520 = arith.addi %mul3A_518, %add3A_519 : i32
        %swap3A_521 = arith.constant 2 : i32
        %swap3A_522 = arith.index_cast %swap3A_521 : i32 to index
        %swap3A_523 = arith.index_cast %add3A_520 : i32 to index
        %swap3A_524 = arith.constant 48 : index
        %swap3A_525 = tpu.vector_load %arg6[%swap3A_522, %swap3A_523, %swap3A_524] {strides = array<i32>} : memref<4x200x64xf32, #tpu.memory_space<vmem>>, vector<1x1x16xf32>,
        %swap3A_526 = vector.shape_cast %swap3A_525 : vector<1x1x16xf32> to vector<16xf32>
        %swap3A_527 = vector.shape_cast %mul3A_516 : vector<16xf32> to vector<1x1x16xf32>
        tpu.vector_store %arg6[%swap3A_522, %swap3A_523, %swap3A_524], %swap3A_527 {strides = array<i32>} : memref<4x200x64xf32, #tpu.memory_space<vmem>>, vector<1x1x16xf32>,
        %mul3A_528 = arith.constant 2 : i32
        %mul3A_529 = arith.muli %scan3A_432, %mul3A_528 : i32
        %add3A_530 = arith.constant 1 : i32
        %add3A_531 = arith.addi %mul3A_529, %add3A_530 : i32
        %get3A_532 = arith.constant 2 : i32
        %get3A_533 = arith.index_cast %get3A_532 : i32 to index
        %get3A_534 = arith.index_cast %add3A_531 : i32 to index
        %get3A_535 = arith.constant 0 : index
        %get3A_536 = tpu.vector_load %arg6[%get3A_533, %get3A_534, %get3A_535] {strides = array<i32>} : memref<4x200x64xf32, #tpu.memory_space<vmem>>, vector<1x1x16xf32>,
        %get3A_537 = vector.shape_cast %get3A_536 : vector<1x1x16xf32> to vector<16xf32>
        %mul3A_538 = arith.constant 8.000000e+00 : f32
        %mul3A_539 = vector.broadcast %mul3A_538 : f32 to vector<16xf32>
        %mul3A_540 = arith.mulf %get3A_537, %mul3A_539 : vector<16xf32>
        %mul3A_541 = arith.constant 2 : i32
        %mul3A_542 = arith.muli %scan3A_432, %mul3A_541 : i32
        %add3A_543 = arith.constant 1 : i32
        %add3A_544 = arith.addi %mul3A_542, %add3A_543 : i32
        %swap3A_545 = arith.constant 2 : i32
        %swap3A_546 = arith.index_cast %swap3A_545 : i32 to index
        %swap3A_547 = arith.index_cast %add3A_544 : i32 to index
        %swap3A_548 = arith.constant 0 : index
        %swap3A_549 = tpu.vector_load %arg6[%swap3A_546, %swap3A_547, %swap3A_548] {strides = array<i32>} : memref<4x200x64xf32, #tpu.memory_space<vmem>>, vector<1x1x16xf32>,
        %swap3A_550 = vector.shape_cast %swap3A_549 : vector<1x1x16xf32> to vector<16xf32>
        %swap3A_551 = vector.shape_cast %mul3A_540 : vector<16xf32> to vector<1x1x16xf32>
        tpu.vector_store %arg6[%swap3A_546, %swap3A_547, %swap3A_548], %swap3A_551 {strides = array<i32>} : memref<4x200x64xf32, #tpu.memory_space<vmem>>, vector<1x1x16xf32>,
        %mul3A_552 = arith.constant 2 : i32
        %mul3A_553 = arith.muli %scan3A_432, %mul3A_552 : i32
        %add3A_554 = arith.constant 1 : i32
        %add3A_555 = arith.addi %mul3A_553, %add3A_554 : i32
        %get3A_556 = arith.constant 2 : i32
        %get3A_557 = arith.index_cast %get3A_556 : i32 to index
        %get3A_558 = arith.index_cast %add3A_555 : i32 to index
        %get3A_559 = arith.constant 16 : index
        %get3A_560 = tpu.vector_load %arg6[%get3A_557, %get3A_558, %get3A_559] {strides = array<i32>} : memref<4x200x64xf32, #tpu.memory_space<vmem>>, vector<1x1x16xf32>,
        %get3A_561 = vector.shape_cast %get3A_560 : vector<1x1x16xf32> to vector<16xf32>
        %mul3A_562 = arith.constant 8.000000e+00 : f32
        %mul3A_563 = vector.broadcast %mul3A_562 : f32 to vector<16xf32>
        %mul3A_564 = arith.mulf %get3A_561, %mul3A_563 : vector<16xf32>
        %mul3A_565 = arith.constant 2 : i32
        %mul3A_566 = arith.muli %scan3A_432, %mul3A_565 : i32
        %add3A_567 = arith.constant 1 : i32
        %add3A_568 = arith.addi %mul3A_566, %add3A_567 : i32
        %swap3A_569 = arith.constant 2 : i32
        %swap3A_570 = arith.index_cast %swap3A_569 : i32 to index
        %swap3A_571 = arith.index_cast %add3A_568 : i32 to index
        %swap3A_572 = arith.constant 16 : index
        %swap3A_573 = tpu.vector_load %arg6[%swap3A_570, %swap3A_571, %swap3A_572] {strides = array<i32>} : memref<4x200x64xf32, #tpu.memory_space<vmem>>, vector<1x1x16xf32>,
        %swap3A_574 = vector.shape_cast %swap3A_573 : vector<1x1x16xf32> to vector<16xf32>
        %swap3A_575 = vector.shape_cast %mul3A_564 : vector<16xf32> to vector<1x1x16xf32>
        tpu.vector_store %arg6[%swap3A_570, %swap3A_571, %swap3A_572], %swap3A_575 {strides = array<i32>} : memref<4x200x64xf32, #tpu.memory_space<vmem>>, vector<1x1x16xf32>,
        %mul3A_576 = arith.constant 2 : i32
        %mul3A_577 = arith.muli %scan3A_432, %mul3A_576 : i32
        %add3A_578 = arith.constant 1 : i32
        %add3A_579 = arith.addi %mul3A_577, %add3A_578 : i32
        %get3A_580 = arith.constant 2 : i32
        %get3A_581 = arith.index_cast %get3A_580 : i32 to index
        %get3A_582 = arith.index_cast %add3A_579 : i32 to index
        %get3A_583 = arith.constant 32 : index
        %get3A_584 = tpu.vector_load %arg6[%get3A_581, %get3A_582, %get3A_583] {strides = array<i32>} : memref<4x200x64xf32, #tpu.memory_space<vmem>>, vector<1x1x16xf32>,
        %get3A_585 = vector.shape_cast %get3A_584 : vector<1x1x16xf32> to vector<16xf32>
        %mul3A_586 = arith.constant 8.000000e+00 : f32
        %mul3A_587 = vector.broadcast %mul3A_586 : f32 to vector<16xf32>
        %mul3A_588 = arith.mulf %get3A_585, %mul3A_587 : vector<16xf32>
        %mul3A_589 = arith.constant 2 : i32
        %mul3A_590 = arith.muli %scan3A_432, %mul3A_589 : i32
        %add3A_591 = arith.constant 1 : i32
        %add3A_592 = arith.addi %mul3A_590, %add3A_591 : i32
        %swap3A_593 = arith.constant 2 : i32
        %swap3A_594 = arith.index_cast %swap3A_593 : i32 to index
        %swap3A_595 = arith.index_cast %add3A_592 : i32 to index
        %swap3A_596 = arith.constant 32 : index
        %swap3A_597 = tpu.vector_load %arg6[%swap3A_594, %swap3A_595, %swap3A_596] {strides = array<i32>} : memref<4x200x64xf32, #tpu.memory_space<vmem>>, vector<1x1x16xf32>,
        %swap3A_598 = vector.shape_cast %swap3A_597 : vector<1x1x16xf32> to vector<16xf32>
        %swap3A_599 = vector.shape_cast %mul3A_588 : vector<16xf32> to vector<1x1x16xf32>
        tpu.vector_store %arg6[%swap3A_594, %swap3A_595, %swap3A_596], %swap3A_599 {strides = array<i32>} : memref<4x200x64xf32, #tpu.memory_space<vmem>>, vector<1x1x16xf32>,
        %mul3A_600 = arith.constant 2 : i32
        %mul3A_601 = arith.muli %scan3A_432, %mul3A_600 : i32
        %add3A_602 = arith.constant 1 : i32
        %add3A_603 = arith.addi %mul3A_601, %add3A_602 : i32
        %get3A_604 = arith.constant 2 : i32
        %get3A_605 = arith.index_cast %get3A_604 : i32 to index
        %get3A_606 = arith.index_cast %add3A_603 : i32 to index
        %get3A_607 = arith.constant 48 : index
        %get3A_608 = tpu.vector_load %arg6[%get3A_605, %get3A_606, %get3A_607] {strides = array<i32>} : memref<4x200x64xf32, #tpu.memory_space<vmem>>, vector<1x1x16xf32>,
        %get3A_609 = vector.shape_cast %get3A_608 : vector<1x1x16xf32> to vector<16xf32>
        %mul3A_610 = arith.constant 8.000000e+00 : f32
        %mul3A_611 = vector.broadcast %mul3A_610 : f32 to vector<16xf32>
        %mul3A_612 = arith.mulf %get3A_609, %mul3A_611 : vector<16xf32>
        %mul3A_613 = arith.constant 2 : i32
        %mul3A_614 = arith.muli %scan3A_432, %mul3A_613 : i32
        %add3A_615 = arith.constant 1 : i32
        %add3A_616 = arith.addi %mul3A_614, %add3A_615 : i32
        %swap3A_617 = arith.constant 2 : i32
        %swap3A_618 = arith.index_cast %swap3A_617 : i32 to index
        %swap3A_619 = arith.index_cast %add3A_616 : i32 to index
        %swap3A_620 = arith.constant 48 : index
        %swap3A_621 = tpu.vector_load %arg6[%swap3A_618, %swap3A_619, %swap3A_620] {strides = array<i32>} : memref<4x200x64xf32, #tpu.memory_space<vmem>>, vector<1x1x16xf32>,
        %swap3A_622 = vector.shape_cast %swap3A_621 : vector<1x1x16xf32> to vector<16xf32>
        %swap3A_623 = vector.shape_cast %mul3A_612 : vector<16xf32> to vector<1x1x16xf32>
        tpu.vector_store %arg6[%swap3A_618, %swap3A_619, %swap3A_620], %swap3A_623 {strides = array<i32>} : memref<4x200x64xf32, #tpu.memory_space<vmem>>, vector<1x1x16xf32>,
        %scan3A_624 = arith.constant 0 : i32
        scf.yield %scan3A_624 : i32
      }
      %scan3A_338 = arith.constant 100 : i32
      %add3A_339 = arith.constant 4 : i32
      %add3A_340 = arith.addi %add3A_310, %add3A_339 : i32
      %sub3A_341 = arith.constant 1 : i32
      %sub3A_342 = arith.subi %add3A_340, %sub3A_341 : i32
      %lt3A_343 = arith.constant 128 : i32
      %lt3A_344 = arith.cmpi slt, %sub3A_342, %lt3A_343 : i32
      %convert_element_type3A_345 = arith.extui %lt3A_344 : i1 to i32
      %cond3A_346 = arith.constant 0 : i32
      %cond3A_347 = arith.cmpi ne, %convert_element_type3A_345, %cond3A_346 : i32
      scf.if %cond3A_347 {
        %ge3A = arith.constant 1 : i32
        %ge3A_432 = arith.cmpi sge, %add3A_310, %ge3A : i32
        %convert_element_type3A_433 = arith.extui %ge3A_432 : i1 to i32
        %cond3A_434 = arith.constant 0 : i32
        %cond3A_435 = arith.cmpi ne, %convert_element_type3A_433, %cond3A_434 : i32
        scf.if %cond3A_435 {
          %sub3A_464 = arith.constant 1 : i32
          %sub3A_465 = arith.subi %add3A_310, %sub3A_464 : i32
          %add3A_466 = arith.addi %mul3A_2, %sub3A_465 : i32
          %dma_wait3A_467 = arith.constant 1 : i32
          %dma_wait3A_468 = arith.constant 1 : i32
          %dma_wait3A_469 = arith.constant 0 : i32
          %dma_wait3A_470 = arith.constant 0 : i32
          %dma_wait3A_471 = tpu.memref_slice %arg6[%dma_wait3A_467, %dma_wait3A_469, %dma_wait3A_470] : memref<4x200x64xf32, #tpu.memory_space<vmem>> -> memref<1x200x64xf32, #tpu.memory_space<vmem>>
          %dma_wait3A_472 = tpu.memref_squeeze %dma_wait3A_471 : memref<1x200x64xf32, #tpu.memory_space<vmem>> -> memref<200x64xf32, #tpu.memory_space<vmem>>
          %dma_wait3A_473 = arith.constant 0 : i32
          %dma_wait3A_474 = arith.constant 0 : i32
          %dma_wait3A_475 = tpu.memref_slice %arg4[%add3A_466, %dma_wait3A_473, %dma_wait3A_474] : memref<4096x200x128xf32, #tpu.memory_space<hbm>> -> memref<1x200x64xf32, #tpu.memory_space<hbm>>
          %dma_wait3A_476 = tpu.memref_squeeze %dma_wait3A_475 : memref<1x200x64xf32, #tpu.memory_space<hbm>> -> memref<200x64xf32, #tpu.memory_space<hbm>>
          %dma_wait3A_477 = tpu.memref_slice %arg8[%dma_wait3A_468] : memref<4x!tpu.dma_semaphore, #tpu.memory_space<semaphore_mem>> -> memref<1x!tpu.dma_semaphore, #tpu.memory_space<semaphore_mem>>
          %dma_wait3A_478 = tpu.memref_squeeze %dma_wait3A_477 : memref<1x!tpu.dma_semaphore, #tpu.memory_space<semaphore_mem>> -> memref<!tpu.dma_semaphore, #tpu.memory_space<semaphore_mem>>
          %dma_wait3A_479 = arith.constant 0 : i32
          %dma_wait3A_480 = arith.constant 0 : i32
          %dma_wait3A_481 = tpu.memref_slice %arg6[%dma_wait3A_467, %dma_wait3A_479, %dma_wait3A_480] : memref<4x200x64xf32, #tpu.memory_space<vmem>> -> memref<1x200x64xf32, #tpu.memory_space<vmem>>
          %dma_wait3A_482 = tpu.memref_squeeze %dma_wait3A_481 : memref<1x200x64xf32, #tpu.memory_space<vmem>> -> memref<200x64xf32, #tpu.memory_space<vmem>>
          %dma_wait3A_483 = arith.constant 0 : i32
          %dma_wait3A_484 = arith.constant 0 : i32
          %dma_wait3A_485 = tpu.memref_slice %arg4[%add3A_466, %dma_wait3A_483, %dma_wait3A_484] : memref<4096x200x128xf32, #tpu.memory_space<hbm>> -> memref<1x200x64xf32, #tpu.memory_space<hbm>>
          %dma_wait3A_486 = tpu.memref_squeeze %dma_wait3A_485 : memref<1x200x64xf32, #tpu.memory_space<hbm>> -> memref<200x64xf32, #tpu.memory_space<hbm>>
          tpu.wait_dma2 semaphore(%dma_wait3A_478 : memref<!tpu.dma_semaphore, #tpu.memory_space<semaphore_mem>>) src(%dma_wait3A_486 : memref<200x64xf32, #tpu.memory_space<hbm>>) dst(%dma_wait3A_482 : memref<200x64xf32, #tpu.memory_space<vmem>>)
        } else {
        }
        %dma_start3A_436 = arith.constant 1 : i32
        %dma_start3A_437 = arith.constant 1 : i32
        %dma_start3A_438 = arith.constant 0 : i32
        %dma_start3A_439 = arith.constant 0 : i32
        %dma_start3A_440 = tpu.memref_slice %arg6[%dma_start3A_436, %dma_start3A_438, %dma_start3A_439] : memref<4x200x64xf32, #tpu.memory_space<vmem>> -> memref<1x128x64xf32, #tpu.memory_space<vmem>>
        %dma_start3A_441 = tpu.memref_squeeze %dma_start3A_440 : memref<1x128x64xf32, #tpu.memory_space<vmem>> -> memref<128x64xf32, #tpu.memory_space<vmem>>
        %dma_start3A_442 = arith.constant 0 : i32
        %dma_start3A_443 = tpu.memref_slice %arg5[%sub3A_342, %dma_start3A_442] : memref<128x256xi32, #tpu.memory_space<vmem>> -> memref<1x128xi32, #tpu.memory_space<vmem>>
        %dma_start3A_444 = tpu.memref_squeeze %dma_start3A_443 : memref<1x128xi32, #tpu.memory_space<vmem>> -> memref<128xi32, #tpu.memory_space<vmem>>
        %dma_start3A_445 = arith.constant 0 : i32
        %dma_start3A_446 = arith.constant 0 : i32
        %dma_start3A_447 = tpu.memref_slice %arg3[%dma_start3A_445, %dma_start3A_446] : memref<1000000x64xf32, #tpu.memory_space<hbm>> -> memref<1000000x64xf32, #tpu.memory_space<hbm>>
        %dma_start3A_448 = tpu.memref_slice %arg7[%dma_start3A_437] : memref<4x!tpu.dma_semaphore, #tpu.memory_space<semaphore_mem>> -> memref<1x!tpu.dma_semaphore, #tpu.memory_space<semaphore_mem>>
        %dma_start3A_449 = tpu.memref_squeeze %dma_start3A_448 : memref<1x!tpu.dma_semaphore, #tpu.memory_space<semaphore_mem>> -> memref<!tpu.dma_semaphore, #tpu.memory_space<semaphore_mem>>
        tpu.enqueue_indirect_dma source(%dma_start3A_447 : memref<1000000x64xf32, #tpu.memory_space<hbm>>) target(%dma_start3A_441 : memref<128x64xf32, #tpu.memory_space<vmem>>) offsets(%dma_start3A_444 : memref<128xi32, #tpu.memory_space<vmem>>) semaphore(%dma_start3A_449 : memref<!tpu.dma_semaphore, #tpu.memory_space<semaphore_mem>>)
        %dma_start3A_450 = arith.constant 1 : i32
        %dma_start3A_451 = arith.constant 1 : i32
        %dma_start3A_452 = arith.constant 128 : i32
        %dma_start3A_453 = arith.constant 0 : i32
        %dma_start3A_454 = tpu.memref_slice %arg6[%dma_start3A_450, %dma_start3A_452, %dma_start3A_453] : memref<4x200x64xf32, #tpu.memory_space<vmem>> -> memref<1x72x64xf32, #tpu.memory_space<vmem>>
        %dma_start3A_455 = tpu.memref_squeeze %dma_start3A_454 : memref<1x72x64xf32, #tpu.memory_space<vmem>> -> memref<72x64xf32, #tpu.memory_space<vmem>>
        %dma_start3A_456 = arith.constant 128 : i32
        %dma_start3A_457 = tpu.memref_slice %arg5[%sub3A_342, %dma_start3A_456] : memref<128x256xi32, #tpu.memory_space<vmem>> -> memref<1x72xi32, #tpu.memory_space<vmem>>
        %dma_start3A_458 = tpu.memref_squeeze %dma_start3A_457 : memref<1x72xi32, #tpu.memory_space<vmem>> -> memref<72xi32, #tpu.memory_space<vmem>>
        %dma_start3A_459 = arith.constant 0 : i32
        %dma_start3A_460 = arith.constant 0 : i32
        %dma_start3A_461 = tpu.memref_slice %arg3[%dma_start3A_459, %dma_start3A_460] : memref<1000000x64xf32, #tpu.memory_space<hbm>> -> memref<1000000x64xf32, #tpu.memory_space<hbm>>
        %dma_start3A_462 = tpu.memref_slice %arg7[%dma_start3A_451] : memref<4x!tpu.dma_semaphore, #tpu.memory_space<semaphore_mem>> -> memref<1x!tpu.dma_semaphore, #tpu.memory_space<semaphore_mem>>
        %dma_start3A_463 = tpu.memref_squeeze %dma_start3A_462 : memref<1x!tpu.dma_semaphore, #tpu.memory_space<semaphore_mem>> -> memref<!tpu.dma_semaphore, #tpu.memory_space<semaphore_mem>>
        tpu.enqueue_indirect_dma source(%dma_start3A_461 : memref<1000000x64xf32, #tpu.memory_space<hbm>>) target(%dma_start3A_455 : memref<72x64xf32, #tpu.memory_space<vmem>>) offsets(%dma_start3A_458 : memref<72xi32, #tpu.memory_space<vmem>>) semaphore(%dma_start3A_463 : memref<!tpu.dma_semaphore, #tpu.memory_space<semaphore_mem>>)
      } else {
      }
      %add3A_348 = arith.addi %mul3A_2, %add3A_310 : i32
      %dma_start3A_349 = arith.constant 2 : i32
      %dma_start3A_350 = arith.constant 2 : i32
      %dma_start3A_351 = arith.constant 0 : i32
      %dma_start3A_352 = arith.constant 0 : i32
      %dma_start3A_353 = tpu.memref_slice %arg6[%dma_start3A_349, %dma_start3A_351, %dma_start3A_352] : memref<4x200x64xf32, #tpu.memory_space<vmem>> -> memref<1x200x64xf32, #tpu.memory_space<vmem>>
      %dma_start3A_354 = tpu.memref_squeeze %dma_start3A_353 : memref<1x200x64xf32, #tpu.memory_space<vmem>> -> memref<200x64xf32, #tpu.memory_space<vmem>>
      %dma_start3A_355 = arith.constant 0 : i32
      %dma_start3A_356 = arith.constant 0 : i32
      %dma_start3A_357 = tpu.memref_slice %arg4[%add3A_348, %dma_start3A_355, %dma_start3A_356] : memref<4096x200x128xf32, #tpu.memory_space<hbm>> -> memref<1x200x64xf32, #tpu.memory_space<hbm>>
      %dma_start3A_358 = tpu.memref_squeeze %dma_start3A_357 : memref<1x200x64xf32, #tpu.memory_space<hbm>> -> memref<200x64xf32, #tpu.memory_space<hbm>>
      %dma_start3A_359 = tpu.memref_slice %arg8[%dma_start3A_350] : memref<4x!tpu.dma_semaphore, #tpu.memory_space<semaphore_mem>> -> memref<1x!tpu.dma_semaphore, #tpu.memory_space<semaphore_mem>>
      %dma_start3A_360 = tpu.memref_squeeze %dma_start3A_359 : memref<1x!tpu.dma_semaphore, #tpu.memory_space<semaphore_mem>> -> memref<!tpu.dma_semaphore, #tpu.memory_space<semaphore_mem>>
      %dma_start3A_361 = arith.constant 0 : i32
      %dma_start3A_362 = arith.constant 0 : i32
      %dma_start3A_363 = tpu.memref_slice %arg4[%add3A_348, %dma_start3A_361, %dma_start3A_362] : memref<4096x200x128xf32, #tpu.memory_space<hbm>> -> memref<1x200x64xf32, #tpu.memory_space<hbm>>
      %dma_start3A_364 = tpu.memref_squeeze %dma_start3A_363 : memref<1x200x64xf32, #tpu.memory_space<hbm>> -> memref<200x64xf32, #tpu.memory_space<hbm>>
      %dma_start3A_365 = arith.constant 0 : i32
      %dma_start3A_366 = arith.constant 0 : i32
      %dma_start3A_367 = tpu.memref_slice %arg6[%dma_start3A_349, %dma_start3A_365, %dma_start3A_366] : memref<4x200x64xf32, #tpu.memory_space<vmem>> -> memref<1x200x64xf32, #tpu.memory_space<vmem>>
      %dma_start3A_368 = tpu.memref_squeeze %dma_start3A_367 : memref<1x200x64xf32, #tpu.memory_space<vmem>> -> memref<200x64xf32, #tpu.memory_space<vmem>>
      tpu.enqueue_dma source(%dma_start3A_368 : memref<200x64xf32, #tpu.memory_space<vmem>>) target(%dma_start3A_364 : memref<200x64xf32, #tpu.memory_space<hbm>>) target_semaphore(%dma_start3A_360 : memref<!tpu.dma_semaphore, #tpu.memory_space<semaphore_mem>>)
      %mul3A_369 = arith.constant 4 : i32
      %mul3A_370 = arith.muli %scan3A_185, %mul3A_369 : i32
      %add3A_371 = arith.constant 3 : i32
      %add3A_372 = arith.addi %mul3A_370, %add3A_371 : i32
      %add3A_373 = arith.addi %mul3A_2, %add3A_372 : i32
      %dma_wait3A_374 = arith.constant 3 : i32
      %dma_wait3A_375 = arith.constant 3 : i32
      %dma_wait3A_376 = arith.constant 0 : i32
      %dma_wait3A_377 = arith.constant 0 : i32
      %dma_wait3A_378 = tpu.memref_slice %arg6[%dma_wait3A_374, %dma_wait3A_376, %dma_wait3A_377] : memref<4x200x64xf32, #tpu.memory_space<vmem>> -> memref<1x200x64xf32, #tpu.memory_space<vmem>>
      %dma_wait3A_379 = tpu.memref_squeeze %dma_wait3A_378 : memref<1x200x64xf32, #tpu.memory_space<vmem>> -> memref<200x64xf32, #tpu.memory_space<vmem>>
      %dma_wait3A_380 = arith.constant 0 : i32
      %dma_wait3A_381 = arith.constant 0 : i32
      %dma_wait3A_382 = tpu.memref_slice %arg4[%add3A_373, %dma_wait3A_380, %dma_wait3A_381] : memref<4096x200x128xf32, #tpu.memory_space<hbm>> -> memref<1x200x64xf32, #tpu.memory_space<hbm>>
      %dma_wait3A_383 = tpu.memref_squeeze %dma_wait3A_382 : memref<1x200x64xf32, #tpu.memory_space<hbm>> -> memref<200x64xf32, #tpu.memory_space<hbm>>
      %dma_wait3A_384 = tpu.memref_slice %arg7[%dma_wait3A_375] : memref<4x!tpu.dma_semaphore, #tpu.memory_space<semaphore_mem>> -> memref<1x!tpu.dma_semaphore, #tpu.memory_space<semaphore_mem>>
      %dma_wait3A_385 = tpu.memref_squeeze %dma_wait3A_384 : memref<1x!tpu.dma_semaphore, #tpu.memory_space<semaphore_mem>> -> memref<!tpu.dma_semaphore, #tpu.memory_space<semaphore_mem>>
      %dma_wait3A_386 = arith.constant 0 : i32
      %dma_wait3A_387 = arith.constant 0 : i32
      %dma_wait3A_388 = tpu.memref_slice %arg6[%dma_wait3A_374, %dma_wait3A_386, %dma_wait3A_387] : memref<4x200x64xf32, #tpu.memory_space<vmem>> -> memref<1x200x64xf32, #tpu.memory_space<vmem>>
      %dma_wait3A_389 = tpu.memref_squeeze %dma_wait3A_388 : memref<1x200x64xf32, #tpu.memory_space<vmem>> -> memref<200x64xf32, #tpu.memory_space<vmem>>
      %dma_wait3A_390 = arith.constant 0 : i32
      %dma_wait3A_391 = arith.constant 0 : i32
      %dma_wait3A_392 = tpu.memref_slice %arg4[%add3A_373, %dma_wait3A_390, %dma_wait3A_391] : memref<4096x200x128xf32, #tpu.memory_space<hbm>> -> memref<1x200x64xf32, #tpu.memory_space<hbm>>
      %dma_wait3A_393 = tpu.memref_squeeze %dma_wait3A_392 : memref<1x200x64xf32, #tpu.memory_space<hbm>> -> memref<200x64xf32, #tpu.memory_space<hbm>>
      tpu.wait_dma2 semaphore(%dma_wait3A_385 : memref<!tpu.dma_semaphore, #tpu.memory_space<semaphore_mem>>) src(%dma_wait3A_393 : memref<200x64xf32, #tpu.memory_space<hbm>>) dst(%dma_wait3A_389 : memref<200x64xf32, #tpu.memory_space<vmem>>)
      %scan3A_394 = arith.constant 0 : i32
      %scan3A_395 = arith.constant 0 : i32
      %scan3A_396 = arith.constant 100 : i32
      %scan3A_397 = arith.addi %scan3A_395, %scan3A_396 : i32
      %scan3A_398 = arith.constant 1 : i32
      %scan3A_399 = scf.for %scan3A_432 = %scan3A_395 to %scan3A_397 step %scan3A_398 iter_args(%scan3A_433 = %scan3A_394) -> (i32)  : i32 {
        %mul3A_434 = arith.constant 2 : i32
        %mul3A_435 = arith.muli %scan3A_432, %mul3A_434 : i32
        %add3A_436 = arith.constant 0 : i32
        %add3A_437 = arith.addi %mul3A_435, %add3A_436 : i32
        %get3A = arith.constant 3 : i32
        %get3A_438 = arith.index_cast %get3A : i32 to index
        %get3A_439 = arith.index_cast %add3A_437 : i32 to index
        %get3A_440 = arith.constant 0 : index
        %get3A_441 = tpu.vector_load %arg6[%get3A_438, %get3A_439, %get3A_440] {strides = array<i32>} : memref<4x200x64xf32, #tpu.memory_space<vmem>>, vector<1x1x16xf32>,
        %get3A_442 = vector.shape_cast %get3A_441 : vector<1x1x16xf32> to vector<16xf32>
        %mul3A_443 = arith.constant 8.000000e+00 : f32
        %mul3A_444 = vector.broadcast %mul3A_443 : f32 to vector<16xf32>
        %mul3A_445 = arith.mulf %get3A_442, %mul3A_444 : vector<16xf32>
        %mul3A_446 = arith.constant 2 : i32
        %mul3A_447 = arith.muli %scan3A_432, %mul3A_446 : i32
        %add3A_448 = arith.constant 0 : i32
        %add3A_449 = arith.addi %mul3A_447, %add3A_448 : i32
        %swap3A = arith.constant 3 : i32
        %swap3A_450 = arith.index_cast %swap3A : i32 to index
        %swap3A_451 = arith.index_cast %add3A_449 : i32 to index
        %swap3A_452 = arith.constant 0 : index
        %swap3A_453 = tpu.vector_load %arg6[%swap3A_450, %swap3A_451, %swap3A_452] {strides = array<i32>} : memref<4x200x64xf32, #tpu.memory_space<vmem>>, vector<1x1x16xf32>,
        %swap3A_454 = vector.shape_cast %swap3A_453 : vector<1x1x16xf32> to vector<16xf32>
        %swap3A_455 = vector.shape_cast %mul3A_445 : vector<16xf32> to vector<1x1x16xf32>
        tpu.vector_store %arg6[%swap3A_450, %swap3A_451, %swap3A_452], %swap3A_455 {strides = array<i32>} : memref<4x200x64xf32, #tpu.memory_space<vmem>>, vector<1x1x16xf32>,
        %mul3A_456 = arith.constant 2 : i32
        %mul3A_457 = arith.muli %scan3A_432, %mul3A_456 : i32
        %add3A_458 = arith.constant 0 : i32
        %add3A_459 = arith.addi %mul3A_457, %add3A_458 : i32
        %get3A_460 = arith.constant 3 : i32
        %get3A_461 = arith.index_cast %get3A_460 : i32 to index
        %get3A_462 = arith.index_cast %add3A_459 : i32 to index
        %get3A_463 = arith.constant 16 : index
        %get3A_464 = tpu.vector_load %arg6[%get3A_461, %get3A_462, %get3A_463] {strides = array<i32>} : memref<4x200x64xf32, #tpu.memory_space<vmem>>, vector<1x1x16xf32>,
        %get3A_465 = vector.shape_cast %get3A_464 : vector<1x1x16xf32> to vector<16xf32>
        %mul3A_466 = arith.constant 8.000000e+00 : f32
        %mul3A_467 = vector.broadcast %mul3A_466 : f32 to vector<16xf32>
        %mul3A_468 = arith.mulf %get3A_465, %mul3A_467 : vector<16xf32>
        %mul3A_469 = arith.constant 2 : i32
        %mul3A_470 = arith.muli %scan3A_432, %mul3A_469 : i32
        %add3A_471 = arith.constant 0 : i32
        %add3A_472 = arith.addi %mul3A_470, %add3A_471 : i32
        %swap3A_473 = arith.constant 3 : i32
        %swap3A_474 = arith.index_cast %swap3A_473 : i32 to index
        %swap3A_475 = arith.index_cast %add3A_472 : i32 to index
        %swap3A_476 = arith.constant 16 : index
        %swap3A_477 = tpu.vector_load %arg6[%swap3A_474, %swap3A_475, %swap3A_476] {strides = array<i32>} : memref<4x200x64xf32, #tpu.memory_space<vmem>>, vector<1x1x16xf32>,
        %swap3A_478 = vector.shape_cast %swap3A_477 : vector<1x1x16xf32> to vector<16xf32>
        %swap3A_479 = vector.shape_cast %mul3A_468 : vector<16xf32> to vector<1x1x16xf32>
        tpu.vector_store %arg6[%swap3A_474, %swap3A_475, %swap3A_476], %swap3A_479 {strides = array<i32>} : memref<4x200x64xf32, #tpu.memory_space<vmem>>, vector<1x1x16xf32>,
        %mul3A_480 = arith.constant 2 : i32
        %mul3A_481 = arith.muli %scan3A_432, %mul3A_480 : i32
        %add3A_482 = arith.constant 0 : i32
        %add3A_483 = arith.addi %mul3A_481, %add3A_482 : i32
        %get3A_484 = arith.constant 3 : i32
        %get3A_485 = arith.index_cast %get3A_484 : i32 to index
        %get3A_486 = arith.index_cast %add3A_483 : i32 to index
        %get3A_487 = arith.constant 32 : index
        %get3A_488 = tpu.vector_load %arg6[%get3A_485, %get3A_486, %get3A_487] {strides = array<i32>} : memref<4x200x64xf32, #tpu.memory_space<vmem>>, vector<1x1x16xf32>,
        %get3A_489 = vector.shape_cast %get3A_488 : vector<1x1x16xf32> to vector<16xf32>
        %mul3A_490 = arith.constant 8.000000e+00 : f32
        %mul3A_491 = vector.broadcast %mul3A_490 : f32 to vector<16xf32>
        %mul3A_492 = arith.mulf %get3A_489, %mul3A_491 : vector<16xf32>
        %mul3A_493 = arith.constant 2 : i32
        %mul3A_494 = arith.muli %scan3A_432, %mul3A_493 : i32
        %add3A_495 = arith.constant 0 : i32
        %add3A_496 = arith.addi %mul3A_494, %add3A_495 : i32
        %swap3A_497 = arith.constant 3 : i32
        %swap3A_498 = arith.index_cast %swap3A_497 : i32 to index
        %swap3A_499 = arith.index_cast %add3A_496 : i32 to index
        %swap3A_500 = arith.constant 32 : index
        %swap3A_501 = tpu.vector_load %arg6[%swap3A_498, %swap3A_499, %swap3A_500] {strides = array<i32>} : memref<4x200x64xf32, #tpu.memory_space<vmem>>, vector<1x1x16xf32>,
        %swap3A_502 = vector.shape_cast %swap3A_501 : vector<1x1x16xf32> to vector<16xf32>
        %swap3A_503 = vector.shape_cast %mul3A_492 : vector<16xf32> to vector<1x1x16xf32>
        tpu.vector_store %arg6[%swap3A_498, %swap3A_499, %swap3A_500], %swap3A_503 {strides = array<i32>} : memref<4x200x64xf32, #tpu.memory_space<vmem>>, vector<1x1x16xf32>,
        %mul3A_504 = arith.constant 2 : i32
        %mul3A_505 = arith.muli %scan3A_432, %mul3A_504 : i32
        %add3A_506 = arith.constant 0 : i32
        %add3A_507 = arith.addi %mul3A_505, %add3A_506 : i32
        %get3A_508 = arith.constant 3 : i32
        %get3A_509 = arith.index_cast %get3A_508 : i32 to index
        %get3A_510 = arith.index_cast %add3A_507 : i32 to index
        %get3A_511 = arith.constant 48 : index
        %get3A_512 = tpu.vector_load %arg6[%get3A_509, %get3A_510, %get3A_511] {strides = array<i32>} : memref<4x200x64xf32, #tpu.memory_space<vmem>>, vector<1x1x16xf32>,
        %get3A_513 = vector.shape_cast %get3A_512 : vector<1x1x16xf32> to vector<16xf32>
        %mul3A_514 = arith.constant 8.000000e+00 : f32
        %mul3A_515 = vector.broadcast %mul3A_514 : f32 to vector<16xf32>
        %mul3A_516 = arith.mulf %get3A_513, %mul3A_515 : vector<16xf32>
        %mul3A_517 = arith.constant 2 : i32
        %mul3A_518 = arith.muli %scan3A_432, %mul3A_517 : i32
        %add3A_519 = arith.constant 0 : i32
        %add3A_520 = arith.addi %mul3A_518, %add3A_519 : i32
        %swap3A_521 = arith.constant 3 : i32
        %swap3A_522 = arith.index_cast %swap3A_521 : i32 to index
        %swap3A_523 = arith.index_cast %add3A_520 : i32 to index
        %swap3A_524 = arith.constant 48 : index
        %swap3A_525 = tpu.vector_load %arg6[%swap3A_522, %swap3A_523, %swap3A_524] {strides = array<i32>} : memref<4x200x64xf32, #tpu.memory_space<vmem>>, vector<1x1x16xf32>,
        %swap3A_526 = vector.shape_cast %swap3A_525 : vector<1x1x16xf32> to vector<16xf32>
        %swap3A_527 = vector.shape_cast %mul3A_516 : vector<16xf32> to vector<1x1x16xf32>
        tpu.vector_store %arg6[%swap3A_522, %swap3A_523, %swap3A_524], %swap3A_527 {strides = array<i32>} : memref<4x200x64xf32, #tpu.memory_space<vmem>>, vector<1x1x16xf32>,
        %mul3A_528 = arith.constant 2 : i32
        %mul3A_529 = arith.muli %scan3A_432, %mul3A_528 : i32
        %add3A_530 = arith.constant 1 : i32
        %add3A_531 = arith.addi %mul3A_529, %add3A_530 : i32
        %get3A_532 = arith.constant 3 : i32
        %get3A_533 = arith.index_cast %get3A_532 : i32 to index
        %get3A_534 = arith.index_cast %add3A_531 : i32 to index
        %get3A_535 = arith.constant 0 : index
        %get3A_536 = tpu.vector_load %arg6[%get3A_533, %get3A_534, %get3A_535] {strides = array<i32>} : memref<4x200x64xf32, #tpu.memory_space<vmem>>, vector<1x1x16xf32>,
        %get3A_537 = vector.shape_cast %get3A_536 : vector<1x1x16xf32> to vector<16xf32>
        %mul3A_538 = arith.constant 8.000000e+00 : f32
        %mul3A_539 = vector.broadcast %mul3A_538 : f32 to vector<16xf32>
        %mul3A_540 = arith.mulf %get3A_537, %mul3A_539 : vector<16xf32>
        %mul3A_541 = arith.constant 2 : i32
        %mul3A_542 = arith.muli %scan3A_432, %mul3A_541 : i32
        %add3A_543 = arith.constant 1 : i32
        %add3A_544 = arith.addi %mul3A_542, %add3A_543 : i32
        %swap3A_545 = arith.constant 3 : i32
        %swap3A_546 = arith.index_cast %swap3A_545 : i32 to index
        %swap3A_547 = arith.index_cast %add3A_544 : i32 to index
        %swap3A_548 = arith.constant 0 : index
        %swap3A_549 = tpu.vector_load %arg6[%swap3A_546, %swap3A_547, %swap3A_548] {strides = array<i32>} : memref<4x200x64xf32, #tpu.memory_space<vmem>>, vector<1x1x16xf32>,
        %swap3A_550 = vector.shape_cast %swap3A_549 : vector<1x1x16xf32> to vector<16xf32>
        %swap3A_551 = vector.shape_cast %mul3A_540 : vector<16xf32> to vector<1x1x16xf32>
        tpu.vector_store %arg6[%swap3A_546, %swap3A_547, %swap3A_548], %swap3A_551 {strides = array<i32>} : memref<4x200x64xf32, #tpu.memory_space<vmem>>, vector<1x1x16xf32>,
        %mul3A_552 = arith.constant 2 : i32
        %mul3A_553 = arith.muli %scan3A_432, %mul3A_552 : i32
        %add3A_554 = arith.constant 1 : i32
        %add3A_555 = arith.addi %mul3A_553, %add3A_554 : i32
        %get3A_556 = arith.constant 3 : i32
        %get3A_557 = arith.index_cast %get3A_556 : i32 to index
        %get3A_558 = arith.index_cast %add3A_555 : i32 to index
        %get3A_559 = arith.constant 16 : index
        %get3A_560 = tpu.vector_load %arg6[%get3A_557, %get3A_558, %get3A_559] {strides = array<i32>} : memref<4x200x64xf32, #tpu.memory_space<vmem>>, vector<1x1x16xf32>,
        %get3A_561 = vector.shape_cast %get3A_560 : vector<1x1x16xf32> to vector<16xf32>
        %mul3A_562 = arith.constant 8.000000e+00 : f32
        %mul3A_563 = vector.broadcast %mul3A_562 : f32 to vector<16xf32>
        %mul3A_564 = arith.mulf %get3A_561, %mul3A_563 : vector<16xf32>
        %mul3A_565 = arith.constant 2 : i32
        %mul3A_566 = arith.muli %scan3A_432, %mul3A_565 : i32
        %add3A_567 = arith.constant 1 : i32
        %add3A_568 = arith.addi %mul3A_566, %add3A_567 : i32
        %swap3A_569 = arith.constant 3 : i32
        %swap3A_570 = arith.index_cast %swap3A_569 : i32 to index
        %swap3A_571 = arith.index_cast %add3A_568 : i32 to index
        %swap3A_572 = arith.constant 16 : index
        %swap3A_573 = tpu.vector_load %arg6[%swap3A_570, %swap3A_571, %swap3A_572] {strides = array<i32>} : memref<4x200x64xf32, #tpu.memory_space<vmem>>, vector<1x1x16xf32>,
        %swap3A_574 = vector.shape_cast %swap3A_573 : vector<1x1x16xf32> to vector<16xf32>
        %swap3A_575 = vector.shape_cast %mul3A_564 : vector<16xf32> to vector<1x1x16xf32>
        tpu.vector_store %arg6[%swap3A_570, %swap3A_571, %swap3A_572], %swap3A_575 {strides = array<i32>} : memref<4x200x64xf32, #tpu.memory_space<vmem>>, vector<1x1x16xf32>,
        %mul3A_576 = arith.constant 2 : i32
        %mul3A_577 = arith.muli %scan3A_432, %mul3A_576 : i32
        %add3A_578 = arith.constant 1 : i32
        %add3A_579 = arith.addi %mul3A_577, %add3A_578 : i32
        %get3A_580 = arith.constant 3 : i32
        %get3A_581 = arith.index_cast %get3A_580 : i32 to index
        %get3A_582 = arith.index_cast %add3A_579 : i32 to index
        %get3A_583 = arith.constant 32 : index
        %get3A_584 = tpu.vector_load %arg6[%get3A_581, %get3A_582, %get3A_583] {strides = array<i32>} : memref<4x200x64xf32, #tpu.memory_space<vmem>>, vector<1x1x16xf32>,
        %get3A_585 = vector.shape_cast %get3A_584 : vector<1x1x16xf32> to vector<16xf32>
        %mul3A_586 = arith.constant 8.000000e+00 : f32
        %mul3A_587 = vector.broadcast %mul3A_586 : f32 to vector<16xf32>
        %mul3A_588 = arith.mulf %get3A_585, %mul3A_587 : vector<16xf32>
        %mul3A_589 = arith.constant 2 : i32
        %mul3A_590 = arith.muli %scan3A_432, %mul3A_589 : i32
        %add3A_591 = arith.constant 1 : i32
        %add3A_592 = arith.addi %mul3A_590, %add3A_591 : i32
        %swap3A_593 = arith.constant 3 : i32
        %swap3A_594 = arith.index_cast %swap3A_593 : i32 to index
        %swap3A_595 = arith.index_cast %add3A_592 : i32 to index
        %swap3A_596 = arith.constant 32 : index
        %swap3A_597 = tpu.vector_load %arg6[%swap3A_594, %swap3A_595, %swap3A_596] {strides = array<i32>} : memref<4x200x64xf32, #tpu.memory_space<vmem>>, vector<1x1x16xf32>,
        %swap3A_598 = vector.shape_cast %swap3A_597 : vector<1x1x16xf32> to vector<16xf32>
        %swap3A_599 = vector.shape_cast %mul3A_588 : vector<16xf32> to vector<1x1x16xf32>
        tpu.vector_store %arg6[%swap3A_594, %swap3A_595, %swap3A_596], %swap3A_599 {strides = array<i32>} : memref<4x200x64xf32, #tpu.memory_space<vmem>>, vector<1x1x16xf32>,
        %mul3A_600 = arith.constant 2 : i32
        %mul3A_601 = arith.muli %scan3A_432, %mul3A_600 : i32
        %add3A_602 = arith.constant 1 : i32
        %add3A_603 = arith.addi %mul3A_601, %add3A_602 : i32
        %get3A_604 = arith.constant 3 : i32
        %get3A_605 = arith.index_cast %get3A_604 : i32 to index
        %get3A_606 = arith.index_cast %add3A_603 : i32 to index
        %get3A_607 = arith.constant 48 : index
        %get3A_608 = tpu.vector_load %arg6[%get3A_605, %get3A_606, %get3A_607] {strides = array<i32>} : memref<4x200x64xf32, #tpu.memory_space<vmem>>, vector<1x1x16xf32>,
        %get3A_609 = vector.shape_cast %get3A_608 : vector<1x1x16xf32> to vector<16xf32>
        %mul3A_610 = arith.constant 8.000000e+00 : f32
        %mul3A_611 = vector.broadcast %mul3A_610 : f32 to vector<16xf32>
        %mul3A_612 = arith.mulf %get3A_609, %mul3A_611 : vector<16xf32>
        %mul3A_613 = arith.constant 2 : i32
        %mul3A_614 = arith.muli %scan3A_432, %mul3A_613 : i32
        %add3A_615 = arith.constant 1 : i32
        %add3A_616 = arith.addi %mul3A_614, %add3A_615 : i32
        %swap3A_617 = arith.constant 3 : i32
        %swap3A_618 = arith.index_cast %swap3A_617 : i32 to index
        %swap3A_619 = arith.index_cast %add3A_616 : i32 to index
        %swap3A_620 = arith.constant 48 : index
        %swap3A_621 = tpu.vector_load %arg6[%swap3A_618, %swap3A_619, %swap3A_620] {strides = array<i32>} : memref<4x200x64xf32, #tpu.memory_space<vmem>>, vector<1x1x16xf32>,
        %swap3A_622 = vector.shape_cast %swap3A_621 : vector<1x1x16xf32> to vector<16xf32>
        %swap3A_623 = vector.shape_cast %mul3A_612 : vector<16xf32> to vector<1x1x16xf32>
        tpu.vector_store %arg6[%swap3A_618, %swap3A_619, %swap3A_620], %swap3A_623 {strides = array<i32>} : memref<4x200x64xf32, #tpu.memory_space<vmem>>, vector<1x1x16xf32>,
        %scan3A_624 = arith.constant 0 : i32
        scf.yield %scan3A_624 : i32
      }
      %scan3A_400 = arith.constant 100 : i32
      %add3A_401 = arith.constant 4 : i32
      %add3A_402 = arith.addi %add3A_372, %add3A_401 : i32
      %sub3A_403 = arith.constant 1 : i32
      %sub3A_404 = arith.subi %add3A_402, %sub3A_403 : i32
      %lt3A_405 = arith.constant 128 : i32
      %lt3A_406 = arith.cmpi slt, %sub3A_404, %lt3A_405 : i32
      %convert_element_type3A_407 = arith.extui %lt3A_406 : i1 to i32
      %cond3A_408 = arith.constant 0 : i32
      %cond3A_409 = arith.cmpi ne, %convert_element_type3A_407, %cond3A_408 : i32
      scf.if %cond3A_409 {
        %ge3A = arith.constant 1 : i32
        %ge3A_432 = arith.cmpi sge, %add3A_372, %ge3A : i32
        %convert_element_type3A_433 = arith.extui %ge3A_432 : i1 to i32
        %cond3A_434 = arith.constant 0 : i32
        %cond3A_435 = arith.cmpi ne, %convert_element_type3A_433, %cond3A_434 : i32
        scf.if %cond3A_435 {
          %sub3A_464 = arith.constant 1 : i32
          %sub3A_465 = arith.subi %add3A_372, %sub3A_464 : i32
          %add3A_466 = arith.addi %mul3A_2, %sub3A_465 : i32
          %dma_wait3A_467 = arith.constant 2 : i32
          %dma_wait3A_468 = arith.constant 2 : i32
          %dma_wait3A_469 = arith.constant 0 : i32
          %dma_wait3A_470 = arith.constant 0 : i32
          %dma_wait3A_471 = tpu.memref_slice %arg6[%dma_wait3A_467, %dma_wait3A_469, %dma_wait3A_470] : memref<4x200x64xf32, #tpu.memory_space<vmem>> -> memref<1x200x64xf32, #tpu.memory_space<vmem>>
          %dma_wait3A_472 = tpu.memref_squeeze %dma_wait3A_471 : memref<1x200x64xf32, #tpu.memory_space<vmem>> -> memref<200x64xf32, #tpu.memory_space<vmem>>
          %dma_wait3A_473 = arith.constant 0 : i32
          %dma_wait3A_474 = arith.constant 0 : i32
          %dma_wait3A_475 = tpu.memref_slice %arg4[%add3A_466, %dma_wait3A_473, %dma_wait3A_474] : memref<4096x200x128xf32, #tpu.memory_space<hbm>> -> memref<1x200x64xf32, #tpu.memory_space<hbm>>
          %dma_wait3A_476 = tpu.memref_squeeze %dma_wait3A_475 : memref<1x200x64xf32, #tpu.memory_space<hbm>> -> memref<200x64xf32, #tpu.memory_space<hbm>>
          %dma_wait3A_477 = tpu.memref_slice %arg8[%dma_wait3A_468] : memref<4x!tpu.dma_semaphore, #tpu.memory_space<semaphore_mem>> -> memref<1x!tpu.dma_semaphore, #tpu.memory_space<semaphore_mem>>
          %dma_wait3A_478 = tpu.memref_squeeze %dma_wait3A_477 : memref<1x!tpu.dma_semaphore, #tpu.memory_space<semaphore_mem>> -> memref<!tpu.dma_semaphore, #tpu.memory_space<semaphore_mem>>
          %dma_wait3A_479 = arith.constant 0 : i32
          %dma_wait3A_480 = arith.constant 0 : i32
          %dma_wait3A_481 = tpu.memref_slice %arg6[%dma_wait3A_467, %dma_wait3A_479, %dma_wait3A_480] : memref<4x200x64xf32, #tpu.memory_space<vmem>> -> memref<1x200x64xf32, #tpu.memory_space<vmem>>
          %dma_wait3A_482 = tpu.memref_squeeze %dma_wait3A_481 : memref<1x200x64xf32, #tpu.memory_space<vmem>> -> memref<200x64xf32, #tpu.memory_space<vmem>>
          %dma_wait3A_483 = arith.constant 0 : i32
          %dma_wait3A_484 = arith.constant 0 : i32
          %dma_wait3A_485 = tpu.memref_slice %arg4[%add3A_466, %dma_wait3A_483, %dma_wait3A_484] : memref<4096x200x128xf32, #tpu.memory_space<hbm>> -> memref<1x200x64xf32, #tpu.memory_space<hbm>>
          %dma_wait3A_486 = tpu.memref_squeeze %dma_wait3A_485 : memref<1x200x64xf32, #tpu.memory_space<hbm>> -> memref<200x64xf32, #tpu.memory_space<hbm>>
          tpu.wait_dma2 semaphore(%dma_wait3A_478 : memref<!tpu.dma_semaphore, #tpu.memory_space<semaphore_mem>>) src(%dma_wait3A_486 : memref<200x64xf32, #tpu.memory_space<hbm>>) dst(%dma_wait3A_482 : memref<200x64xf32, #tpu.memory_space<vmem>>)
        } else {
        }
        %dma_start3A_436 = arith.constant 2 : i32
        %dma_start3A_437 = arith.constant 2 : i32
        %dma_start3A_438 = arith.constant 0 : i32
        %dma_start3A_439 = arith.constant 0 : i32
        %dma_start3A_440 = tpu.memref_slice %arg6[%dma_start3A_436, %dma_start3A_438, %dma_start3A_439] : memref<4x200x64xf32, #tpu.memory_space<vmem>> -> memref<1x128x64xf32, #tpu.memory_space<vmem>>
        %dma_start3A_441 = tpu.memref_squeeze %dma_start3A_440 : memref<1x128x64xf32, #tpu.memory_space<vmem>> -> memref<128x64xf32, #tpu.memory_space<vmem>>
        %dma_start3A_442 = arith.constant 0 : i32
        %dma_start3A_443 = tpu.memref_slice %arg5[%sub3A_404, %dma_start3A_442] : memref<128x256xi32, #tpu.memory_space<vmem>> -> memref<1x128xi32, #tpu.memory_space<vmem>>
        %dma_start3A_444 = tpu.memref_squeeze %dma_start3A_443 : memref<1x128xi32, #tpu.memory_space<vmem>> -> memref<128xi32, #tpu.memory_space<vmem>>
        %dma_start3A_445 = arith.constant 0 : i32
        %dma_start3A_446 = arith.constant 0 : i32
        %dma_start3A_447 = tpu.memref_slice %arg3[%dma_start3A_445, %dma_start3A_446] : memref<1000000x64xf32, #tpu.memory_space<hbm>> -> memref<1000000x64xf32, #tpu.memory_space<hbm>>
        %dma_start3A_448 = tpu.memref_slice %arg7[%dma_start3A_437] : memref<4x!tpu.dma_semaphore, #tpu.memory_space<semaphore_mem>> -> memref<1x!tpu.dma_semaphore, #tpu.memory_space<semaphore_mem>>
        %dma_start3A_449 = tpu.memref_squeeze %dma_start3A_448 : memref<1x!tpu.dma_semaphore, #tpu.memory_space<semaphore_mem>> -> memref<!tpu.dma_semaphore, #tpu.memory_space<semaphore_mem>>
        tpu.enqueue_indirect_dma source(%dma_start3A_447 : memref<1000000x64xf32, #tpu.memory_space<hbm>>) target(%dma_start3A_441 : memref<128x64xf32, #tpu.memory_space<vmem>>) offsets(%dma_start3A_444 : memref<128xi32, #tpu.memory_space<vmem>>) semaphore(%dma_start3A_449 : memref<!tpu.dma_semaphore, #tpu.memory_space<semaphore_mem>>)
        %dma_start3A_450 = arith.constant 2 : i32
        %dma_start3A_451 = arith.constant 2 : i32
        %dma_start3A_452 = arith.constant 128 : i32
        %dma_start3A_453 = arith.constant 0 : i32
        %dma_start3A_454 = tpu.memref_slice %arg6[%dma_start3A_450, %dma_start3A_452, %dma_start3A_453] : memref<4x200x64xf32, #tpu.memory_space<vmem>> -> memref<1x72x64xf32, #tpu.memory_space<vmem>>
        %dma_start3A_455 = tpu.memref_squeeze %dma_start3A_454 : memref<1x72x64xf32, #tpu.memory_space<vmem>> -> memref<72x64xf32, #tpu.memory_space<vmem>>
        %dma_start3A_456 = arith.constant 128 : i32
        %dma_start3A_457 = tpu.memref_slice %arg5[%sub3A_404, %dma_start3A_456] : memref<128x256xi32, #tpu.memory_space<vmem>> -> memref<1x72xi32, #tpu.memory_space<vmem>>
        %dma_start3A_458 = tpu.memref_squeeze %dma_start3A_457 : memref<1x72xi32, #tpu.memory_space<vmem>> -> memref<72xi32, #tpu.memory_space<vmem>>
        %dma_start3A_459 = arith.constant 0 : i32
        %dma_start3A_460 = arith.constant 0 : i32
        %dma_start3A_461 = tpu.memref_slice %arg3[%dma_start3A_459, %dma_start3A_460] : memref<1000000x64xf32, #tpu.memory_space<hbm>> -> memref<1000000x64xf32, #tpu.memory_space<hbm>>
        %dma_start3A_462 = tpu.memref_slice %arg7[%dma_start3A_451] : memref<4x!tpu.dma_semaphore, #tpu.memory_space<semaphore_mem>> -> memref<1x!tpu.dma_semaphore, #tpu.memory_space<semaphore_mem>>
        %dma_start3A_463 = tpu.memref_squeeze %dma_start3A_462 : memref<1x!tpu.dma_semaphore, #tpu.memory_space<semaphore_mem>> -> memref<!tpu.dma_semaphore, #tpu.memory_space<semaphore_mem>>
        tpu.enqueue_indirect_dma source(%dma_start3A_461 : memref<1000000x64xf32, #tpu.memory_space<hbm>>) target(%dma_start3A_455 : memref<72x64xf32, #tpu.memory_space<vmem>>) offsets(%dma_start3A_458 : memref<72xi32, #tpu.memory_space<vmem>>) semaphore(%dma_start3A_463 : memref<!tpu.dma_semaphore, #tpu.memory_space<semaphore_mem>>)
      } else {
      }
      %add3A_410 = arith.addi %mul3A_2, %add3A_372 : i32
      %dma_start3A_411 = arith.constant 3 : i32
      %dma_start3A_412 = arith.constant 3 : i32
      %dma_start3A_413 = arith.constant 0 : i32
      %dma_start3A_414 = arith.constant 0 : i32
      %dma_start3A_415 = tpu.memref_slice %arg6[%dma_start3A_411, %dma_start3A_413, %dma_start3A_414] : memref<4x200x64xf32, #tpu.memory_space<vmem>> -> memref<1x200x64xf32, #tpu.memory_space<vmem>>
      %dma_start3A_416 = tpu.memref_squeeze %dma_start3A_415 : memref<1x200x64xf32, #tpu.memory_space<vmem>> -> memref<200x64xf32, #tpu.memory_space<vmem>>
      %dma_start3A_417 = arith.constant 0 : i32
      %dma_start3A_418 = arith.constant 0 : i32
      %dma_start3A_419 = tpu.memref_slice %arg4[%add3A_410, %dma_start3A_417, %dma_start3A_418] : memref<4096x200x128xf32, #tpu.memory_space<hbm>> -> memref<1x200x64xf32, #tpu.memory_space<hbm>>
      %dma_start3A_420 = tpu.memref_squeeze %dma_start3A_419 : memref<1x200x64xf32, #tpu.memory_space<hbm>> -> memref<200x64xf32, #tpu.memory_space<hbm>>
      %dma_start3A_421 = tpu.memref_slice %arg8[%dma_start3A_412] : memref<4x!tpu.dma_semaphore, #tpu.memory_space<semaphore_mem>> -> memref<1x!tpu.dma_semaphore, #tpu.memory_space<semaphore_mem>>
      %dma_start3A_422 = tpu.memref_squeeze %dma_start3A_421 : memref<1x!tpu.dma_semaphore, #tpu.memory_space<semaphore_mem>> -> memref<!tpu.dma_semaphore, #tpu.memory_space<semaphore_mem>>
      %dma_start3A_423 = arith.constant 0 : i32
      %dma_start3A_424 = arith.constant 0 : i32
      %dma_start3A_425 = tpu.memref_slice %arg4[%add3A_410, %dma_start3A_423, %dma_start3A_424] : memref<4096x200x128xf32, #tpu.memory_space<hbm>> -> memref<1x200x64xf32, #tpu.memory_space<hbm>>
      %dma_start3A_426 = tpu.memref_squeeze %dma_start3A_425 : memref<1x200x64xf32, #tpu.memory_space<hbm>> -> memref<200x64xf32, #tpu.memory_space<hbm>>
      %dma_start3A_427 = arith.constant 0 : i32
      %dma_start3A_428 = arith.constant 0 : i32
      %dma_start3A_429 = tpu.memref_slice %arg6[%dma_start3A_411, %dma_start3A_427, %dma_start3A_428] : memref<4x200x64xf32, #tpu.memory_space<vmem>> -> memref<1x200x64xf32, #tpu.memory_space<vmem>>
      %dma_start3A_430 = tpu.memref_squeeze %dma_start3A_429 : memref<1x200x64xf32, #tpu.memory_space<vmem>> -> memref<200x64xf32, #tpu.memory_space<vmem>>
      tpu.enqueue_dma source(%dma_start3A_430 : memref<200x64xf32, #tpu.memory_space<vmem>>) target(%dma_start3A_426 : memref<200x64xf32, #tpu.memory_space<hbm>>) target_semaphore(%dma_start3A_422 : memref<!tpu.dma_semaphore, #tpu.memory_space<semaphore_mem>>)
      %scan3A_431 = arith.constant 0 : i32
      scf.yield %scan3A_431 : i32
    }
    %scan3A_97 = arith.constant 32 : i32
    %add3A_98 = arith.constant 124 : i32
    %add3A_99 = arith.addi %mul3A_2, %add3A_98 : i32
    %dma_wait3A = arith.constant 0 : i32
    %dma_wait3A_100 = arith.constant 0 : i32
    %dma_wait3A_101 = arith.constant 0 : i32
    %dma_wait3A_102 = arith.constant 0 : i32
    %dma_wait3A_103 = tpu.memref_slice %arg6[%dma_wait3A, %dma_wait3A_101, %dma_wait3A_102] : memref<4x200x64xf32, #tpu.memory_space<vmem>> -> memref<1x200x64xf32, #tpu.memory_space<vmem>>
    %dma_wait3A_104 = tpu.memref_squeeze %dma_wait3A_103 : memref<1x200x64xf32, #tpu.memory_space<vmem>> -> memref<200x64xf32, #tpu.memory_space<vmem>>
    %dma_wait3A_105 = arith.constant 0 : i32
    %dma_wait3A_106 = arith.constant 0 : i32
    %dma_wait3A_107 = tpu.memref_slice %arg4[%add3A_99, %dma_wait3A_105, %dma_wait3A_106] : memref<4096x200x128xf32, #tpu.memory_space<hbm>> -> memref<1x200x64xf32, #tpu.memory_space<hbm>>
    %dma_wait3A_108 = tpu.memref_squeeze %dma_wait3A_107 : memref<1x200x64xf32, #tpu.memory_space<hbm>> -> memref<200x64xf32, #tpu.memory_space<hbm>>
    %dma_wait3A_109 = tpu.memref_slice %arg8[%dma_wait3A_100] : memref<4x!tpu.dma_semaphore, #tpu.memory_space<semaphore_mem>> -> memref<1x!tpu.dma_semaphore, #tpu.memory_space<semaphore_mem>>
    %dma_wait3A_110 = tpu.memref_squeeze %dma_wait3A_109 : memref<1x!tpu.dma_semaphore, #tpu.memory_space<semaphore_mem>> -> memref<!tpu.dma_semaphore, #tpu.memory_space<semaphore_mem>>
    %dma_wait3A_111 = arith.constant 0 : i32
    %dma_wait3A_112 = arith.constant 0 : i32
    %dma_wait3A_113 = tpu.memref_slice %arg6[%dma_wait3A, %dma_wait3A_111, %dma_wait3A_112] : memref<4x200x64xf32, #tpu.memory_space<vmem>> -> memref<1x200x64xf32, #tpu.memory_space<vmem>>
    %dma_wait3A_114 = tpu.memref_squeeze %dma_wait3A_113 : memref<1x200x64xf32, #tpu.memory_space<vmem>> -> memref<200x64xf32, #tpu.memory_space<vmem>>
    %dma_wait3A_115 = arith.constant 0 : i32
    %dma_wait3A_116 = arith.constant 0 : i32
    %dma_wait3A_117 = tpu.memref_slice %arg4[%add3A_99, %dma_wait3A_115, %dma_wait3A_116] : memref<4096x200x128xf32, #tpu.memory_space<hbm>> -> memref<1x200x64xf32, #tpu.memory_space<hbm>>
    %dma_wait3A_118 = tpu.memref_squeeze %dma_wait3A_117 : memref<1x200x64xf32, #tpu.memory_space<hbm>> -> memref<200x64xf32, #tpu.memory_space<hbm>>
    tpu.wait_dma2 semaphore(%dma_wait3A_110 : memref<!tpu.dma_semaphore, #tpu.memory_space<semaphore_mem>>) src(%dma_wait3A_118 : memref<200x64xf32, #tpu.memory_space<hbm>>) dst(%dma_wait3A_114 : memref<200x64xf32, #tpu.memory_space<vmem>>)
    %add3A_119 = arith.constant 125 : i32
    %add3A_120 = arith.addi %mul3A_2, %add3A_119 : i32
    %dma_wait3A_121 = arith.constant 1 : i32
    %dma_wait3A_122 = arith.constant 1 : i32
    %dma_wait3A_123 = arith.constant 0 : i32
    %dma_wait3A_124 = arith.constant 0 : i32
    %dma_wait3A_125 = tpu.memref_slice %arg6[%dma_wait3A_121, %dma_wait3A_123, %dma_wait3A_124] : memref<4x200x64xf32, #tpu.memory_space<vmem>> -> memref<1x200x64xf32, #tpu.memory_space<vmem>>
    %dma_wait3A_126 = tpu.memref_squeeze %dma_wait3A_125 : memref<1x200x64xf32, #tpu.memory_space<vmem>> -> memref<200x64xf32, #tpu.memory_space<vmem>>
    %dma_wait3A_127 = arith.constant 0 : i32
    %dma_wait3A_128 = arith.constant 0 : i32
    %dma_wait3A_129 = tpu.memref_slice %arg4[%add3A_120, %dma_wait3A_127, %dma_wait3A_128] : memref<4096x200x128xf32, #tpu.memory_space<hbm>> -> memref<1x200x64xf32, #tpu.memory_space<hbm>>
    %dma_wait3A_130 = tpu.memref_squeeze %dma_wait3A_129 : memref<1x200x64xf32, #tpu.memory_space<hbm>> -> memref<200x64xf32, #tpu.memory_space<hbm>>
    %dma_wait3A_131 = tpu.memref_slice %arg8[%dma_wait3A_122] : memref<4x!tpu.dma_semaphore, #tpu.memory_space<semaphore_mem>> -> memref<1x!tpu.dma_semaphore, #tpu.memory_space<semaphore_mem>>
    %dma_wait3A_132 = tpu.memref_squeeze %dma_wait3A_131 : memref<1x!tpu.dma_semaphore, #tpu.memory_space<semaphore_mem>> -> memref<!tpu.dma_semaphore, #tpu.memory_space<semaphore_mem>>
    %dma_wait3A_133 = arith.constant 0 : i32
    %dma_wait3A_134 = arith.constant 0 : i32
    %dma_wait3A_135 = tpu.memref_slice %arg6[%dma_wait3A_121, %dma_wait3A_133, %dma_wait3A_134] : memref<4x200x64xf32, #tpu.memory_space<vmem>> -> memref<1x200x64xf32, #tpu.memory_space<vmem>>
    %dma_wait3A_136 = tpu.memref_squeeze %dma_wait3A_135 : memref<1x200x64xf32, #tpu.memory_space<vmem>> -> memref<200x64xf32, #tpu.memory_space<vmem>>
    %dma_wait3A_137 = arith.constant 0 : i32
    %dma_wait3A_138 = arith.constant 0 : i32
    %dma_wait3A_139 = tpu.memref_slice %arg4[%add3A_120, %dma_wait3A_137, %dma_wait3A_138] : memref<4096x200x128xf32, #tpu.memory_space<hbm>> -> memref<1x200x64xf32, #tpu.memory_space<hbm>>
    %dma_wait3A_140 = tpu.memref_squeeze %dma_wait3A_139 : memref<1x200x64xf32, #tpu.memory_space<hbm>> -> memref<200x64xf32, #tpu.memory_space<hbm>>
    tpu.wait_dma2 semaphore(%dma_wait3A_132 : memref<!tpu.dma_semaphore, #tpu.memory_space<semaphore_mem>>) src(%dma_wait3A_140 : memref<200x64xf32, #tpu.memory_space<hbm>>) dst(%dma_wait3A_136 : memref<200x64xf32, #tpu.memory_space<vmem>>)
    %add3A_141 = arith.constant 126 : i32
    %add3A_142 = arith.addi %mul3A_2, %add3A_141 : i32
    %dma_wait3A_143 = arith.constant 2 : i32
    %dma_wait3A_144 = arith.constant 2 : i32
    %dma_wait3A_145 = arith.constant 0 : i32
    %dma_wait3A_146 = arith.constant 0 : i32
    %dma_wait3A_147 = tpu.memref_slice %arg6[%dma_wait3A_143, %dma_wait3A_145, %dma_wait3A_146] : memref<4x200x64xf32, #tpu.memory_space<vmem>> -> memref<1x200x64xf32, #tpu.memory_space<vmem>>
    %dma_wait3A_148 = tpu.memref_squeeze %dma_wait3A_147 : memref<1x200x64xf32, #tpu.memory_space<vmem>> -> memref<200x64xf32, #tpu.memory_space<vmem>>
    %dma_wait3A_149 = arith.constant 0 : i32
    %dma_wait3A_150 = arith.constant 0 : i32
    %dma_wait3A_151 = tpu.memref_slice %arg4[%add3A_142, %dma_wait3A_149, %dma_wait3A_150] : memref<4096x200x128xf32, #tpu.memory_space<hbm>> -> memref<1x200x64xf32, #tpu.memory_space<hbm>>
    %dma_wait3A_152 = tpu.memref_squeeze %dma_wait3A_151 : memref<1x200x64xf32, #tpu.memory_space<hbm>> -> memref<200x64xf32, #tpu.memory_space<hbm>>
    %dma_wait3A_153 = tpu.memref_slice %arg8[%dma_wait3A_144] : memref<4x!tpu.dma_semaphore, #tpu.memory_space<semaphore_mem>> -> memref<1x!tpu.dma_semaphore, #tpu.memory_space<semaphore_mem>>
    %dma_wait3A_154 = tpu.memref_squeeze %dma_wait3A_153 : memref<1x!tpu.dma_semaphore, #tpu.memory_space<semaphore_mem>> -> memref<!tpu.dma_semaphore, #tpu.memory_space<semaphore_mem>>
    %dma_wait3A_155 = arith.constant 0 : i32
    %dma_wait3A_156 = arith.constant 0 : i32
    %dma_wait3A_157 = tpu.memref_slice %arg6[%dma_wait3A_143, %dma_wait3A_155, %dma_wait3A_156] : memref<4x200x64xf32, #tpu.memory_space<vmem>> -> memref<1x200x64xf32, #tpu.memory_space<vmem>>
    %dma_wait3A_158 = tpu.memref_squeeze %dma_wait3A_157 : memref<1x200x64xf32, #tpu.memory_space<vmem>> -> memref<200x64xf32, #tpu.memory_space<vmem>>
    %dma_wait3A_159 = arith.constant 0 : i32
    %dma_wait3A_160 = arith.constant 0 : i32
    %dma_wait3A_161 = tpu.memref_slice %arg4[%add3A_142, %dma_wait3A_159, %dma_wait3A_160] : memref<4096x200x128xf32, #tpu.memory_space<hbm>> -> memref<1x200x64xf32, #tpu.memory_space<hbm>>
    %dma_wait3A_162 = tpu.memref_squeeze %dma_wait3A_161 : memref<1x200x64xf32, #tpu.memory_space<hbm>> -> memref<200x64xf32, #tpu.memory_space<hbm>>
    tpu.wait_dma2 semaphore(%dma_wait3A_154 : memref<!tpu.dma_semaphore, #tpu.memory_space<semaphore_mem>>) src(%dma_wait3A_162 : memref<200x64xf32, #tpu.memory_space<hbm>>) dst(%dma_wait3A_158 : memref<200x64xf32, #tpu.memory_space<vmem>>)
    %add3A_163 = arith.constant 127 : i32
    %add3A_164 = arith.addi %mul3A_2, %add3A_163 : i32
    %dma_wait3A_165 = arith.constant 3 : i32
    %dma_wait3A_166 = arith.constant 3 : i32
    %dma_wait3A_167 = arith.constant 0 : i32
    %dma_wait3A_168 = arith.constant 0 : i32
    %dma_wait3A_169 = tpu.memref_slice %arg6[%dma_wait3A_165, %dma_wait3A_167, %dma_wait3A_168] : memref<4x200x64xf32, #tpu.memory_space<vmem>> -> memref<1x200x64xf32, #tpu.memory_space<vmem>>
    %dma_wait3A_170 = tpu.memref_squeeze %dma_wait3A_169 : memref<1x200x64xf32, #tpu.memory_space<vmem>> -> memref<200x64xf32, #tpu.memory_space<vmem>>
    %dma_wait3A_171 = arith.constant 0 : i32
    %dma_wait3A_172 = arith.constant 0 : i32
    %dma_wait3A_173 = tpu.memref_slice %arg4[%add3A_164, %dma_wait3A_171, %dma_wait3A_172] : memref<4096x200x128xf32, #tpu.memory_space<hbm>> -> memref<1x200x64xf32, #tpu.memory_space<hbm>>
    %dma_wait3A_174 = tpu.memref_squeeze %dma_wait3A_173 : memref<1x200x64xf32, #tpu.memory_space<hbm>> -> memref<200x64xf32, #tpu.memory_space<hbm>>
    %dma_wait3A_175 = tpu.memref_slice %arg8[%dma_wait3A_166] : memref<4x!tpu.dma_semaphore, #tpu.memory_space<semaphore_mem>> -> memref<1x!tpu.dma_semaphore, #tpu.memory_space<semaphore_mem>>
    %dma_wait3A_176 = tpu.memref_squeeze %dma_wait3A_175 : memref<1x!tpu.dma_semaphore, #tpu.memory_space<semaphore_mem>> -> memref<!tpu.dma_semaphore, #tpu.memory_space<semaphore_mem>>
    %dma_wait3A_177 = arith.constant 0 : i32
    %dma_wait3A_178 = arith.constant 0 : i32
    %dma_wait3A_179 = tpu.memref_slice %arg6[%dma_wait3A_165, %dma_wait3A_177, %dma_wait3A_178] : memref<4x200x64xf32, #tpu.memory_space<vmem>> -> memref<1x200x64xf32, #tpu.memory_space<vmem>>
    %dma_wait3A_180 = tpu.memref_squeeze %dma_wait3A_179 : memref<1x200x64xf32, #tpu.memory_space<vmem>> -> memref<200x64xf32, #tpu.memory_space<vmem>>
    %dma_wait3A_181 = arith.constant 0 : i32
    %dma_wait3A_182 = arith.constant 0 : i32
    %dma_wait3A_183 = tpu.memref_slice %arg4[%add3A_164, %dma_wait3A_181, %dma_wait3A_182] : memref<4096x200x128xf32, #tpu.memory_space<hbm>> -> memref<1x200x64xf32, #tpu.memory_space<hbm>>
    %dma_wait3A_184 = tpu.memref_squeeze %dma_wait3A_183 : memref<1x200x64xf32, #tpu.memory_space<hbm>> -> memref<200x64xf32, #tpu.memory_space<hbm>>
    tpu.wait_dma2 semaphore(%dma_wait3A_176 : memref<!tpu.dma_semaphore, #tpu.memory_space<semaphore_mem>>) src(%dma_wait3A_184 : memref<200x64xf32, #tpu.memory_space<hbm>>) dst(%dma_wait3A_180 : memref<200x64xf32, #tpu.memory_space<vmem>>)
    return
  }
}

</mosaic_0001>

<sc_bundles>
// kernel: kernel.3.cloned.1.call-start
scs
__scs_entry_jumppad:
0x0: {  	(pc) =	sbr.rel $0x88, $3  }
0x1: {  	(tag) =	ssettag $0x0;
	lr =	simm.s32 $0x1  }
0x2: {  	[smem:$0x3F9F] =	sst lr;
	_ =	strace $0xD0000000  }
0x3: {  	_ = 	snop  }
0x4: {  	_ = 	snop  }
0x5: {  	_ = 	snop  }
0x6: {  	_ = 	snop  }
0x7: {  	_ = 	snop  }
__scs_overlays_trampoline_lowered:
0x8: {  	[smem:$0x3FAE] =	sst s0  }
0x9: {  	[smem:$0x3FAF] =	sst s1  }
0xa: {  	[smem:$0x3FB0] =	sst s2  }
0xb: {  	[smem:$0x3FB1] =	sst s3  }
0xc: {  	[smem:$0x3FB2] =	sst s4  }
0xd: {  	[smem:$0x3FB3] =	sst s5  }
0xe: {  	[smem:$0x3FB4] =	sst s6  }
0xf: {  	[smem:$0x3FB5] =	sst s7  }
0x10: {  	[smem:$0x3FB6] =	sst s8  }
0x11: {  	[smem:$0x3FB7] =	sst s9;
	s0 =	simm.s32 @!p0 $0x0  }
0x12: {  	s1 =	sld [smem:$0x3F9D];
	s0 =	simm.s32 @p0 $0x1  }
0x13: {  	[smem:$0x3FB8] =	sst s0;
	s0 =	simm.s32 @!p1 $0x0  }
0x14: {  	s2 =	sld [smem:$0x3F9C];
	s0 =	simm.s32 @p1 $0x1  }
0x15: {  	[smem:$0x3FB9] =	sst s0;
	s0 =	simm.s32 @!p2 $0x0  }
0x16: {  	s3 =	sld [smem:$0x3FDB];
	s0 =	simm.s32 @p2 $0x1  }
0x17: {  	s4 =	simm.s32 $0x1BF5;
	[smem:$0x3FBB] =	sst s0  }
0x18: {  	s0 =	sld [smem:$0x3F9E];
	_ =	swait.ge [sflag:s4], $0x0  }
0x19: {  	s7 =	sld [smem:$0x3F9F]  }
0x1a: {  	s8 =	sadd.s32 $0xFFFFE003, lr  }
0x1b: {  	s9 =	sadd.s32 $0xFFFFFEF7, lr;
	s5 =	simm.s32 $0xFFFFFFFF;
	p2 =	slt.u32 s8, $0xFFFFF086  }
0x1c: {  	p1 =	slt.u32 s9, $0xF7A;
	s5 =	simm.s32 @!p2 $0x0  }
0x1d: {  	s5 =	simm.s32 @p1 $0x1;
	p0 =	seq.s32 s7, s2  }
0x1e: {  	s7 =	smul.u32 @!p0 $0xF7A, s2;
	p2 =	seq.s32 @!p0 s5, $0x0  }
0x1f: {  	s9 =	smul.u32 $0xF7A, s1;
	s8 =	simm.s32 @!p0 $0x1BF5;
	p2 =	por !p2, p0  }
0x20: {  	[sflag:s8] =	ssyncset.s32 @!p0 $0xFFFFF086;
	s6 =	sadd.s32 @!p0 s3, s7;
	s7 =	simm.s32 @!p0 $0x108  }
0x21: {  	s3 =	sadd.s32 s3, s9;
	s6 =	sadd.s32 @!p0 $0x88, s6;
	s7 =	simm.s32 @p2 $0x1082  }
0x22: {  	[simem:s7], [sflag:s8] =	dma.local @!p0 [hbm:s6], $0xF7A  }
0x23: {  	s9 =	sor.u32 $0xD0000000, s2;
	s6 =	simm.s32 $0x108;
	_ =	swait.ge @!p0 [sflag:s8], $0x0  }
0x24: {  	s3 =	sadd.s32 $0x88, s3;
	s6 =	simm.s32 @!p1 $0x1082;
	[sflag:s4] =	ssyncset.s32 $0xFFFFF086  }
0x25: {  	[simem:s6], [sflag:s4] =	dma.local [hbm:s3], $0xF7A  }
0x26: {  	[smem:$0x3F9F] =	sst s1;
	(tag) =	ssettag s2;
	_ =	strace s9  }
0x27: {  	s1 =	sld [smem:$0x3FAF]  }
0x28: {  	s2 =	sld [smem:$0x3FB0]  }
0x29: {  	s4 =	sld [smem:$0x3FB2]  }
0x2a: {  	p0 =	seq.s32 s5, $0x0;
	s5 =	sld [smem:$0x3FB3]  }
0x2b: {  	s6 =	sld [smem:$0x3FB4]  }
0x2c: {  	s7 =	sld [smem:$0x3FB5]  }
0x2d: {  	s3 =	simm.s32 $0x108;
	s8 =	sld [smem:$0x3FB6]  }
0x2e: {  	s3 =	simm.s32 @!p0 $0x1082;
	s9 =	sld [smem:$0x3FB7]  }
0x2f: {  	lr =	sadd.s32 s0, s3;
	s0 =	sld [smem:$0x3FAE]  }
0x30: {  	s3 =	sld [smem:$0x3FB1]  }
0x31: {  	[smem:$0x3FBA] =	sst s10  }
0x32: {  	s10 =	sld [smem:$0x3FB8];
	_ =	sdelay $0x3  }
0x33: {  	p0 =	seq.s32 s10, $0x1;
	s10 =	sld [smem:$0x3FBA];
	_ =	sdelay $0x3  }
0x34: {  	[smem:$0x3FBA] =	sst s10  }
0x35: {  	s10 =	sld [smem:$0x3FB9];
	_ =	sdelay $0x3  }
0x36: {  	p1 =	seq.s32 s10, $0x1;
	s10 =	sld [smem:$0x3FBA];
	_ =	sdelay $0x3  }
0x37: {  	[smem:$0x3FBA] =	sst s10  }
0x38: {  	s10 =	sld [smem:$0x3FBB]  }
0x39: {  	_ = 	snop;
	(pc) =	sbr.ind lr, $3  }
0x3a: {  	_ = 	snop  }
0x3b: {  	_ = 	snop  }
0x3c: {  	p2 =	seq.s32 s10, $0x1;
	s10 =	sld [smem:$0x3FBA]  }
0x3d: {  	_ =	shalt  }
0x3e: {  	_ =	shalt  }
0x3f: {  	_ =	shalt  }
0x40: {  	_ =	shalt  }
0x41: {  	_ =	shalt  }
0x42: {  	_ =	shalt  }
0x43: {  	_ =	shalt  }
0x44: {  	_ =	shalt  }
0x45: {  	_ =	shalt  }
0x46: {  	_ =	shalt  }
0x47: {  	_ =	shalt  }
0x48: {  	_ =	shalt  }
0x49: {  	_ =	shalt  }
0x4a: {  	_ =	shalt  }
0x4b: {  	_ =	shalt  }
0x4c: {  	_ =	shalt  }
0x4d: {  	_ =	shalt  }
0x4e: {  	_ =	shalt  }
0x4f: {  	_ =	shalt  }
0x50: {  	_ =	shalt  }
0x51: {  	_ =	shalt  }
0x52: {  	_ =	shalt  }
0x53: {  	_ =	shalt  }
0x54: {  	_ =	shalt  }
0x55: {  	_ =	shalt  }
0x56: {  	_ =	shalt  }
0x57: {  	_ =	shalt  }
0x58: {  	_ =	shalt  }
0x59: {  	_ =	shalt  }
0x5a: {  	_ =	shalt  }
0x5b: {  	_ =	shalt  }
0x5c: {  	_ =	shalt  }
0x5d: {  	_ =	shalt  }
0x5e: {  	_ =	shalt  }
0x5f: {  	_ =	shalt  }
0x60: {  	_ =	shalt  }
0x61: {  	_ =	shalt  }
0x62: {  	_ =	shalt  }
0x63: {  	_ =	shalt  }
0x64: {  	_ =	shalt  }
0x65: {  	_ =	shalt  }
0x66: {  	_ =	shalt  }
0x67: {  	_ =	shalt  }
0x68: {  	_ =	shalt  }
0x69: {  	_ =	shalt  }
0x6a: {  	_ =	shalt  }
0x6b: {  	_ =	shalt  }
0x6c: {  	_ =	shalt  }
0x6d: {  	_ =	shalt  }
0x6e: {  	_ =	shalt  }
0x6f: {  	_ =	shalt  }
0x70: {  	_ =	shalt  }
0x71: {  	_ =	shalt  }
0x72: {  	_ =	shalt  }
0x73: {  	_ =	shalt  }
0x74: {  	_ =	shalt  }
0x75: {  	_ =	shalt  }
0x76: {  	_ =	shalt  }
0x77: {  	_ =	shalt  }
0x78: {  	_ =	shalt  }
0x79: {  	_ =	shalt  }
0x7a: {  	_ =	shalt  }
0x7b: {  	_ =	shalt  }
0x7c: {  	_ =	shalt  }
0x7d: {  	_ =	shalt  }
0x7e: {  	_ =	shalt  }
0x7f: {  	_ =	shalt  }
0x80: {  	_ =	shalt  }
0x81: {  	_ =	shalt  }
0x82: {  	_ =	shalt  }
0x83: {  	_ =	shalt  }
0x84: {  	_ =	shalt  }
0x85: {  	_ =	shalt  }
0x86: {  	_ =	shalt  }
0x87: {  	_ =	shalt  }
.Lfunc_end0:
.L_simem_size_0:
called_computation.1_lowered:
.L_overlay_start_0:
0x88: {  	s2 =	sld [smem:$0x3FD9]  }
0x89: {  	s3 =	sld [smem:$0x3FFE];
	_ =	sdelay $0x1  }
0x8a: {  	s1 =	srdreg.scid  }
0x8b: {  	s0 =	sand.u32 $0x1, s1  }
0x8c: {  	s17 =	sshll.u32 s0, $0xA;
	s2 =	sadd.s32 s3, s2  }
0x8d: {  	s2 =	sadd.s32 s2, s17  }
0x8e: {  	[smem:$0x3FC6] =	sst s2  }
0x8f: {  	_ = 	snop  }
0x90: {  	s2 =	sld [smem:$0x3FD0];
	(tm) =	ssettm $0x1  }
0x91: {  	s18 =	sld [smem:$0x3FFB];
	_ =	sdelay $0x3  }
0x92: {  	_ =	strace s18  }
0x93: {  	s3 =	sld [smem:$0x3FFC];
	_ =	sdelay $0x3  }
0x94: {  	_ =	strace s3  }
0x95: {  	s3 =	sld [smem:$0x3FFD];
	_ =	sdelay $0x3  }
0x96: {  	_ =	strace s3  }
0x97: {  	_ =	strace $0x8FFFFFFF  }
0x98: {  	s19 =	sld [smem:$0x3FDB];
	_ =	sdelay $0x1  }
0x99: {  	s4 =	simm.s32 $_scs_section_size  }
0x9a: {  	s5 =	simm.s32 $_size__tile_overlayer_lowered;
	s6 =	simm.s32 $_tile_overlayer_lowered  }
0x9b: {  	s22 =	simm.s32 $0x1BFF;
	s21 =	sshll.u32 s6, $0x1;
	s3 =	sadd.s32 s4, s19  }
0x9c: {  	s7 =	simm.s32 $0x0;
	s20 =	sshll.u32 s5, $0x1;
	s5 =	sadd.s32 s21, s3  }
0x9d: {  	[timem:s7], [sflag:s22] =	dma.local [hbm:s5], s20  }
0x9e: {  	_ =	swait.ge [sflag:s22], s20  }
0x9f: {  	s4 =	ssub.s32 $0x0, s20;
	[sflag:s22] =	ssyncset.done $0x0  }
0xa0: {  	[sflag:s22] =	ssyncadd.s32 s4;
	_ =	sdelay $0x1  }
0xa1: {  	s23 =	simm.s32 $0x1B8B  }
0xa2: {  	_ =	swait.ge [sflag:s23], $0x1  }
0xa3: {  	[sflag:s23] =	ssyncset.done $0x0  }
0xa4: {  	s25 =	simm.s32 $0x1B8E;
	s24 =	sld [smem:$0x3FFE];
	[sflag:s23] =	ssyncadd.s32 $0xFFFFFFFF  }
0xa5: {  	s26 =	simm.s32 $execute0_lowered;
	[smem:$0x3FD2] =	sst s25  }
0xa6: {  	s5 =	sshll.u32 s26, $0x1;
	_ =	strace $0x80000046;
	[dreg:$0x1] =	wrdreg $0xFFFFFFFF  }
0xa7: {  	s28 =	simm.s32 $_size_execute0_lowered;
	s3 =	sadd.s32 s3, s5;
	[dreg:$0x0] =	wrdreg $0x0  }
0xa8: {  	s5 =	sshll.u32 s28, $0x1;
	[dreg:$0x2] =	wrdreg s3  }
0xa9: {  	[dreg:$0x3] =	wrdreg s5  }
0xaa: {  	[dreg:$0x4] =	wrdreg $0xC0  }
0xab: {  	_ =	task [dreg:s7], $0x5FFFF  }
0xac: {  	[dreg:$0x1] =	wrdreg $0xFFFFFFFF  }
0xad: {  	[dreg:$0x0] =	wrdreg $0x60  }
0xae: {  	[dreg:$0x2] =	wrdreg s2  }
0xaf: {  	[dreg:$0x3] =	wrdreg s24  }
0xb0: {  	[dreg:$0x4] =	wrdreg $0x9  }
0xb1: {  	_ =	task.clear_ibuf [dreg:s7], $0x5FFFF;
	_ =	strace $0x90000046  }
0xb2: {  	s29 =	simm.s32 $0x9;
	_ =	strace $0x80000048  }
0xb3: {  	_ =	swait.ge [sflag:s29], $0x1  }
0xb4: {  	[sflag:s29] =	ssyncadd.s32 $0xFFFFFFFF  }
0xb5: {  	_ =	strace $0x90000048  }
0xb6: {  	_ =	sfence  }
0xb7: {  	s30 =	sld [smem:$0x0];
	_ =	sdelay $0x2  }
0xb8: {  	s31 =	sshll.u32 s1, $0xD;
	s1 =	sshrl.u32 s1, $0x2  }
0xb9: {  	s3 =	sand.u32 $0x4000, s31;
	s1 =	sadd.s32 s1, s30  }
0xba: {  	s0 =	sor.u32 s3, s0;
	s1 =	sshll.u32 s1, $0x11  }
0xbb: {  	s0 =	sor.u32 s1, s0  }
0xbc: {  	s0 =	sadd.s32 $0x8F2B, s0  }
0xbd: {  	[sflag:s0] =	ssyncadd.remote.s32 $0x1  }
0xbe: {  	_ =	sfence.sel $0xFFFF  }
0xbf: {  	[dreg:$0x0] =	wrdreg $0xFFFFFFFF;
	(pc) =	sbr.abs _section_cstart, $3  }
0xc0: {  	[dreg:$0x1] =	wrdreg $0xFFFFFFFF  }
0xc1: {  	_ =	task.clear_ibuf [dreg:s7], $0x2FFFF;
	_ =	strace $0x9FFFFFFF  }
0xc2: {  	(tm) =	ssettm $0x7FFFFFFF  }
0xc3: {  	_ =	shalt  }
tec
execute0_lowered:
.L_overlay_start_1:
0x0: {  	(tag) =	ssettag $0x1  }
0x1: {  	s0 =	rddreg [dreg:$0x0]  }
0x2: {  	s1 =	rddreg [dreg:$0x1];
	s2 =	simm.s32 $0x0;
	s3 =	srdreg.scid  }
0x3: {  	s24 =	stileid.u32;
	s8 =	simm.s32 $0x9;
	s9 =	simm.s32 $0x80  }
0x4: {  	s10 =	simm.s32 $0x8000;
	s11 =	simm.s32 $0x48;
	s14 =	simm.s32 $0xB200  }
0x5: {  	s18 =	simm.s32 $0xE400;
	s21 =	simm.s32 $0x1;
	s22 =	simm.s32 $0x11600  }
0x6: {  	s23 =	simm.s32 $0x13600;
	s28 =	simm.s32 $0x4;
	s29 =	simm.s32 $0x5  }
0x7: {  	s30 =	simm.s32 $0x6;
	s31 =	simm.s32 $0x7;
	[smem:$0x7FF] =	sst s2  }
0x8: {  	s3 =	sand.u32 $0x1, s3;
	s4 =	sshll.u32 s24, $0x8;
	s24 =	simm.s32 $0x40  }
0x9: {  	_ =	strace $0x80000047;
	s6 =	ssub.s32 $0x2, s3;
	s5 =	sshll.u32 s3, $0x7  }
0xa: {  	s3 =	sadd.s32 $0xF42E00, s1;
	s7 =	sshrl.u32 s6, $0x1;
	s4 =	sor.u32 s5, s4  }
0xb: {  	s5 =	sadd.s32 $0xA00, s1;
	s25 =	ssub.s32 s6, s7;
	s26 =	sshll.u32 s4, $0x5  }
0xc: {  	s1 =	simm.s32 $0x0;
	s6 =	sadd.s32 s0, s26;
	s7 =	smax.u32 s25, $0x1  }
0xd: {  	s25 =	simm.s32 $0x2;
	s26 =	simm.s32 $0x3;
	s0 =	simm.s32 $0x8  }
.LBB2_1:
0xe: {  	s2 =	simm.s32 $0x0  }
0xf: {  	[tilespmem:s2], [sflag:$0x9] =	stream.linear.gather [hbm4b:s6+s2], $0x8000, $0x38;
	[tilespmem:$0x14800] =	vst v63  }
0x10: {  	_ =	swait.ge [sflag:s8], $0x8000  }
0x11: {  	[sflag:s8] =	ssyncset.done $0x0  }
0x12: {  	[sflag:s8] =	ssyncadd.s32 $0xFFFF8000  }
0x13: {  	[tilespmem:s10], [sflag:$0x1] =	stream.indirect.gather [hbm4b:s3+s9], $0x40, s2, s9, $0xb8;
	[tilespmem:$0x14800] =	vst v63  }
0x14: {  	s13 =	simm.s32 $0xA000  }
0x15: {  	[tilespmem:s13], [sflag:$0x1] =	stream.indirect.gather [hbm4b:s3+s11], $0x40, s9, s11, $0xb8;
	[tilespmem:$0x14800] =	vst v63  }
0x16: {  	s15 =	simm.s32 $0x100  }
0x17: {  	[tilespmem:s14], [sflag:$0x2] =	stream.indirect.gather [hbm4b:s3+s9], $0x40, s15, s9, $0xb8;
	[tilespmem:$0x14800] =	vst v63  }
0x18: {  	s16 =	simm.s32 $0x180;
	s12 =	simm.s32 $0xD200  }
0x19: {  	[tilespmem:s12], [sflag:$0x2] =	stream.indirect.gather [hbm4b:s3+s11], $0x40, s16, s11, $0xb8;
	[tilespmem:$0x14800] =	vst v63  }
0x1a: {  	s17 =	simm.s32 $0x200  }
0x1b: {  	[tilespmem:s18], [sflag:$0x3] =	stream.indirect.gather [hbm4b:s3+s9], $0x40, s17, s9, $0xb8;
	[tilespmem:$0x14800] =	vst v63  }
0x1c: {  	s19 =	simm.s32 $0x280;
	s20 =	simm.s32 $0x10400;
	s12 =	simm.s32 $0x0  }
0x1d: {  	[tilespmem:s20], [sflag:$0x3] =	stream.indirect.gather [hbm4b:s3+s11], $0x40, s19, s11, $0xb8;
	[tilespmem:$0x14800] =	vst v63  }
.LBB2_2:
0x1e: {  	_ =	swait.ge [sflag:s21], $0x3200  }
0x1f: {  	[sflag:s21] =	ssyncset.done $0x0  }
0x20: {  	s13 =	simm.s32 $0x0;
	[sflag:s21] =	ssyncadd.s32 $0xFFFFCE00  }
0x21: {  	v4 =	vld [tilespmem:s13+$0x8000]  }
0x22: {  	v5 =	vld [tilespmem:s13+$0x8010]  }
0x23: {  	s15 =	sshll.u32 s12, $0x2;
	v3 =	vld [tilespmem:s13+$0x8020]  }
0x24: {  	s16 =	sadd.s32 s4, s15;
	v0 =	vld [tilespmem:s13+$0x8030]  }
0x25: {  	s16 =	smul.u32 $0xC80, s16;
	v1 =	vld [tilespmem:s13+$0x8040]  }
0x26: {  	v2 =	vld [tilespmem:s13+$0x8050];
	v6 =	vmul.f32 $8.000000000e+00, v4  }
0x27: {  	s17 =	simm.s32 $0x200;
	s16 =	sadd.s32 s5, s16;
	v5 =	vmul.f32 $8.000000000e+00, v5;
	v4 =	vld [tilespmem:s13+$0x8060]  }
.LBB2_3:
0x28: {  	s19 =	sshra.s32 s17, $0x2;
	p0 =	sne.s32 s17, $0xC600;
	[tilespmem:s13+$0x8000] =	vst v6;
	v3 =	vmul.f32 $8.000000000e+00, v3;
	v6 =	vld [tilespmem:s13+$0x8070]  }
0x29: {  	v7 =	vld [tilespmem:s19+$0x8000];
	[tilespmem:s13+$0x8010] =	vst v5;
	v0 =	vmul.f32 $8.000000000e+00, v0  }
0x2a: {  	v5 =	vld [tilespmem:s19+$0x8010];
	[tilespmem:s13+$0x8020] =	vst v3;
	v1 =	vmul.f32 $8.000000000e+00, v1  }
.Ltmp0:
0x2b: {  	v3 =	vld [tilespmem:s19+$0x8020];
	[tilespmem:s13+$0x8030] =	vst v0;
	v2 =	vmul.f32 $8.000000000e+00, v2;
	(pc) =	sbr.rel @p0 .LBB2_3-.Ltmp0, $4  }
0x2c: {  	v0 =	vld [tilespmem:s19+$0x8030];
	[tilespmem:s13+$0x8040] =	vst v1;
	v4 =	vmul.f32 $8.000000000e+00, v4  }
0x2d: {  	v1 =	vld [tilespmem:s19+$0x8040];
	[tilespmem:s13+$0x8050] =	vst v2;
	v8 =	vmul.f32 $8.000000000e+00, v6  }
0x2e: {  	v6 =	vmul.f32 $8.000000000e+00, v7;
	v2 =	vld [tilespmem:s19+$0x8050];
	[tilespmem:s13+$0x8060] =	vst v4  }
0x2f: {  	s17 =	sadd.s32 $0x200, s17;
	v5 =	vmul.f32 $8.000000000e+00, v5;
	v4 =	vld [tilespmem:s19+$0x8060];
	[tilespmem:s13+$0x8070] =	vst v8;
	s13 =	smov.u32 s19  }
0x30: {  	[tilespmem:s13+$0x8000] =	vst v6;
	v3 =	vmul.f32 $8.000000000e+00, v3;
	v6 =	vld [tilespmem:s13+$0x8070]  }
0x31: {  	[tilespmem:s13+$0x8010] =	vst v5;
	v0 =	vmul.f32 $8.000000000e+00, v0  }
0x32: {  	[tilespmem:s13+$0x8020] =	vst v3;
	v1 =	vmul.f32 $8.000000000e+00, v1  }
0x33: {  	[tilespmem:s13+$0x8030] =	vst v0;
	v0 =	vmul.f32 $8.000000000e+00, v2  }
0x34: {  	[tilespmem:s13+$0x8040] =	vst v1;
	v1 =	vmul.f32 $8.000000000e+00, v4  }
0x35: {  	[tilespmem:s13+$0x8050] =	vst v0;
	v0 =	vmul.f32 $8.000000000e+00, v6  }
0x36: {  	p0 =	seq.s32 s12, $0x0;
	[tilespmem:s13+$0x8060] =	vst v1  }
0x37: {  	s17 =	simm.s32 @!p0 $0x8;
	[tilespmem:s13+$0x8070] =	vst v0  }
0x38: {  	s13 =	sor.u32 $0x3, s15;
	_ =	swait.ge @!p0 [sflag:s17], $0x3200  }
0x39: {  	s19 =	sshll.u32 s13, $0x8;
	[sflag:s17] =	ssyncset.done @!p0 $0x0  }
0x3a: {  	s19 =	sand.u32 $0x3FFFFF00, s19;
	[sflag:s17] =	ssyncadd.s32 @!p0 $0xFFFFCE00  }
0x3b: {  	[tilespmem:s22], [sflag:$0x4] =	stream.indirect.gather [hbm4b:s3+s9], $0x40, s19, s9, $0xb8;
	[tilespmem:$0x14800] =	vst v63  }
0x3c: {  	s17 =	sor.u32 $0x80, s19  }
0x3d: {  	[tilespmem:s23], [sflag:$0x4] =	stream.indirect.gather [hbm4b:s3+s11], $0x40, s17, s11, $0xb8;
	[tilespmem:$0x14800] =	vst v63  }
0x3e: {  	_ = 	snop  }
0x3f: {  	[hbm4b:s16+s24] =	stream.strided.scatter [tilespmem:s10], [sflag:$0x5], $0x3200, s9, s24, $0x38;
	[tilespmem:$0x14800] =	vst v63  }
0x40: {  	_ =	swait.ge [sflag:s25], $0x3200  }
0x41: {  	[sflag:s25] =	ssyncset.done $0x0  }
0x42: {  	s19 =	simm.s32 $0x0;
	[sflag:s25] =	ssyncadd.s32 $0xFFFFCE00  }
0x43: {  	v4 =	vld [tilespmem:s19+$0xB200]  }
0x44: {  	v5 =	vld [tilespmem:s19+$0xB210]  }
0x45: {  	s20 =	sadd.s32 s15, s4;
	v3 =	vld [tilespmem:s19+$0xB220]  }
0x46: {  	s15 =	smul.u32 $0xC80, s20;
	v1 =	vld [tilespmem:s19+$0xB230]  }
0x47: {  	v0 =	vld [tilespmem:s19+$0xB240]  }
0x48: {  	s16 =	sadd.s32 s5, s15;
	v2 =	vld [tilespmem:s19+$0xB250];
	v6 =	vmul.f32 $8.000000000e+00, v4  }
0x49: {  	s15 =	simm.s32 $0x200;
	s17 =	sadd.s32 $0xC80, s16;
	v5 =	vmul.f32 $8.000000000e+00, v5;
	v4 =	vld [tilespmem:s19+$0xB260]  }
.LBB2_5:
0x4a: {  	s20 =	sshra.s32 s15, $0x2;
	p0 =	sne.s32 s15, $0xC600;
	[tilespmem:s19+$0xB200] =	vst v6;
	v3 =	vmul.f32 $8.000000000e+00, v3;
	v6 =	vld [tilespmem:s19+$0xB270]  }
0x4b: {  	v7 =	vld [tilespmem:s20+$0xB200];
	[tilespmem:s19+$0xB210] =	vst v5;
	v1 =	vmul.f32 $8.000000000e+00, v1  }
0x4c: {  	v5 =	vld [tilespmem:s20+$0xB210];
	[tilespmem:s19+$0xB220] =	vst v3;
	v0 =	vmul.f32 $8.000000000e+00, v0  }
.Ltmp1:
0x4d: {  	v3 =	vld [tilespmem:s20+$0xB220];
	[tilespmem:s19+$0xB230] =	vst v1;
	v2 =	vmul.f32 $8.000000000e+00, v2;
	(pc) =	sbr.rel @p0 .LBB2_5-.Ltmp1, $4  }
0x4e: {  	v1 =	vld [tilespmem:s20+$0xB230];
	[tilespmem:s19+$0xB240] =	vst v0;
	v4 =	vmul.f32 $8.000000000e+00, v4  }
0x4f: {  	v0 =	vld [tilespmem:s20+$0xB240];
	[tilespmem:s19+$0xB250] =	vst v2;
	v8 =	vmul.f32 $8.000000000e+00, v6  }
0x50: {  	v6 =	vmul.f32 $8.000000000e+00, v7;
	v2 =	vld [tilespmem:s20+$0xB250];
	[tilespmem:s19+$0xB260] =	vst v4  }
0x51: {  	s15 =	sadd.s32 $0x200, s15;
	v5 =	vmul.f32 $8.000000000e+00, v5;
	v4 =	vld [tilespmem:s20+$0xB260];
	[tilespmem:s19+$0xB270] =	vst v8;
	s19 =	smov.u32 s20  }
0x52: {  	[tilespmem:s19+$0xB200] =	vst v6;
	v3 =	vmul.f32 $8.000000000e+00, v3;
	v6 =	vld [tilespmem:s19+$0xB270]  }
0x53: {  	[tilespmem:s19+$0xB210] =	vst v5;
	v1 =	vmul.f32 $8.000000000e+00, v1  }
0x54: {  	[tilespmem:s19+$0xB220] =	vst v3;
	v0 =	vmul.f32 $8.000000000e+00, v0  }
0x55: {  	[tilespmem:s19+$0xB230] =	vst v1;
	v1 =	vmul.f32 $8.000000000e+00, v2  }
0x56: {  	[tilespmem:s19+$0xB240] =	vst v0;
	v0 =	vmul.f32 $8.000000000e+00, v4  }
0x57: {  	[tilespmem:s19+$0xB250] =	vst v1;
	v1 =	vmul.f32 $8.000000000e+00, v6  }
0x58: {  	p0 =	seq.s32 s12, $0x1F;
	[tilespmem:s19+$0xB260] =	vst v0  }
0x59: {  	s15 =	simm.s32 @!p0 $0x5;
	[tilespmem:s19+$0xB270] =	vst v1  }
0x5a: {  	_ =	swait.ge @!p0 [sflag:s15], $0x3200  }
0x5b: {  	s19 =	sshll.u32 @!p0 s12, $0xA;
	[sflag:s15] =	ssyncset.done @!p0 $0x0  }
0x5c: {  	[sflag:s15] =	ssyncadd.s32 @!p0 $0xFFFFCE00;
	s15 =	sand.u32 @!p0 $0x3FFFFC00, s19  }
0x5d: {  	s20 =	simm.s32 @!p0 $0x80;
	s2 =	simm.s32 @!p0 $0x8000;
	s19 =	sadd.s32 @!p0 $0x400, s15  }
0x5e: {  	[tilespmem:s2], [sflag:$0x1] =	stream.indirect.gather @!p0 [hbm4b:s3+s20], $0x40, s19, s20, $0xb8;
	[tilespmem:$0x14800] =	vst v63  }
0x5f: {  	s2 =	sadd.s32 @!p0 $0x480, s15;
	s19 =	simm.s32 @!p0 $0x48;
	s20 =	simm.s32 @!p0 $0xA000  }
0x60: {  	[tilespmem:s20], [sflag:$0x1] =	stream.indirect.gather @!p0 [hbm4b:s3+s19], $0x40, s2, s19, $0xb8;
	[tilespmem:$0x14800] =	vst v63  }
0x61: {  	_ = 	snop  }
0x62: {  	[hbm4b:s17+s24] =	stream.strided.scatter [tilespmem:s14], [sflag:$0x6], $0x3200, s9, s24, $0x38;
	[tilespmem:$0x14800] =	vst v63  }
0x63: {  	_ =	swait.ge [sflag:s26], $0x3200  }
0x64: {  	[sflag:s26] =	ssyncset.done $0x0  }
0x65: {  	s17 =	simm.s32 $0x0;
	[sflag:s26] =	ssyncadd.s32 $0xFFFFCE00  }
0x66: {  	v3 =	vld [tilespmem:s17+$0xE400]  }
0x67: {  	v5 =	vld [tilespmem:s17+$0xE410]  }
0x68: {  	v4 =	vld [tilespmem:s17+$0xE420]  }
0x69: {  	v2 =	vld [tilespmem:s17+$0xE430]  }
0x6a: {  	v0 =	vld [tilespmem:s17+$0xE440]  }
0x6b: {  	v1 =	vld [tilespmem:s17+$0xE450];
	v6 =	vmul.f32 $8.000000000e+00, v3  }
0x6c: {  	s16 =	sadd.s32 $0x1900, s16;
	s19 =	simm.s32 $0x200;
	v5 =	vmul.f32 $8.000000000e+00, v5;
	v3 =	vld [tilespmem:s17+$0xE460]  }
.LBB2_7:
0x6d: {  	s2 =	sshra.s32 s19, $0x2;
	p1 =	sne.s32 s19, $0xC600;
	[tilespmem:s17+$0xE400] =	vst v6;
	v4 =	vmul.f32 $8.000000000e+00, v4;
	v6 =	vld [tilespmem:s17+$0xE470]  }
0x6e: {  	v7 =	vld [tilespmem:s2+$0xE400];
	[tilespmem:s17+$0xE410] =	vst v5;
	v2 =	vmul.f32 $8.000000000e+00, v2  }
0x6f: {  	v5 =	vld [tilespmem:s2+$0xE410];
	[tilespmem:s17+$0xE420] =	vst v4;
	v0 =	vmul.f32 $8.000000000e+00, v0  }
.Ltmp2:
0x70: {  	v4 =	vld [tilespmem:s2+$0xE420];
	[tilespmem:s17+$0xE430] =	vst v2;
	v1 =	vmul.f32 $8.000000000e+00, v1;
	(pc) =	sbr.rel @p1 .LBB2_7-.Ltmp2, $4  }
0x71: {  	v2 =	vld [tilespmem:s2+$0xE430];
	[tilespmem:s17+$0xE440] =	vst v0;
	v3 =	vmul.f32 $8.000000000e+00, v3  }
0x72: {  	v0 =	vld [tilespmem:s2+$0xE440];
	[tilespmem:s17+$0xE450] =	vst v1;
	v8 =	vmul.f32 $8.000000000e+00, v6  }
0x73: {  	v6 =	vmul.f32 $8.000000000e+00, v7;
	v1 =	vld [tilespmem:s2+$0xE450];
	[tilespmem:s17+$0xE460] =	vst v3  }
0x74: {  	s19 =	sadd.s32 $0x200, s19;
	v5 =	vmul.f32 $8.000000000e+00, v5;
	v3 =	vld [tilespmem:s2+$0xE460];
	[tilespmem:s17+$0xE470] =	vst v8;
	s17 =	smov.u32 s2  }
0x75: {  	[tilespmem:s17+$0xE400] =	vst v6;
	v4 =	vmul.f32 $8.000000000e+00, v4;
	v6 =	vld [tilespmem:s17+$0xE470]  }
0x76: {  	[tilespmem:s17+$0xE410] =	vst v5;
	v2 =	vmul.f32 $8.000000000e+00, v2  }
0x77: {  	[tilespmem:s17+$0xE420] =	vst v4;
	v0 =	vmul.f32 $8.000000000e+00, v0  }
0x78: {  	[tilespmem:s17+$0xE430] =	vst v2;
	v1 =	vmul.f32 $8.000000000e+00, v1  }
0x79: {  	[tilespmem:s17+$0xE440] =	vst v0;
	v0 =	vmul.f32 $8.000000000e+00, v3  }
0x7a: {  	[tilespmem:s17+$0xE450] =	vst v1;
	v1 =	vmul.f32 $8.000000000e+00, v6  }
0x7b: {  	[tilespmem:s17+$0xE460] =	vst v0  }
0x7c: {  	s2 =	simm.s32 @!p0 $0x6;
	[tilespmem:s17+$0xE470] =	vst v1  }
0x7d: {  	_ =	swait.ge @!p0 [sflag:s2], $0x3200  }
0x7e: {  	s19 =	simm.s32 @!p0 $0xB200;
	[sflag:s2] =	ssyncset.done @!p0 $0x0  }
0x7f: {  	s17 =	simm.s32 @!p0 $0x80;
	[sflag:s2] =	ssyncadd.s32 @!p0 $0xFFFFCE00;
	s2 =	sadd.s32 @!p0 $0x500, s15  }
0x80: {  	[tilespmem:s19], [sflag:$0x2] =	stream.indirect.gather @!p0 [hbm4b:s3+s17], $0x40, s2, s17, $0xb8;
	[tilespmem:$0x14800] =	vst v63  }
0x81: {  	s2 =	sadd.s32 @!p0 $0x580, s15;
	s17 =	simm.s32 @!p0 $0x48;
	s19 =	simm.s32 @!p0 $0xD200  }
0x82: {  	[tilespmem:s19], [sflag:$0x2] =	stream.indirect.gather @!p0 [hbm4b:s3+s17], $0x40, s2, s17, $0xb8;
	[tilespmem:$0x14800] =	vst v63  }
0x83: {  	_ = 	snop  }
0x84: {  	[hbm4b:s16+s24] =	stream.strided.scatter [tilespmem:s18], [sflag:$0x7], $0x3200, s9, s24, $0x38;
	[tilespmem:$0x14800] =	vst v63  }
0x85: {  	_ =	swait.ge [sflag:s28], $0x3200  }
0x86: {  	[sflag:s28] =	ssyncset.done $0x0  }
0x87: {  	s16 =	simm.s32 $0x0;
	[sflag:s28] =	ssyncadd.s32 $0xFFFFCE00  }
0x88: {  	v4 =	vld [tilespmem:s16+$0x11600]  }
0x89: {  	v5 =	vld [tilespmem:s16+$0x11610]  }
0x8a: {  	v3 =	vld [tilespmem:s16+$0x11620]  }
0x8b: {  	s20 =	sadd.s32 s4, s13;
	v0 =	vld [tilespmem:s16+$0x11630]  }
0x8c: {  	s2 =	smul.u32 $0xC80, s20;
	v1 =	vld [tilespmem:s16+$0x11640]  }
0x8d: {  	v2 =	vld [tilespmem:s16+$0x11650];
	v6 =	vmul.f32 $8.000000000e+00, v4  }
0x8e: {  	s17 =	simm.s32 $0x200;
	s13 =	sadd.s32 s5, s2;
	v5 =	vmul.f32 $8.000000000e+00, v5;
	v4 =	vld [tilespmem:s16+$0x11660]  }
.LBB2_9:
0x8f: {  	s2 =	sshra.s32 s17, $0x2;
	p1 =	sne.s32 s17, $0xC600;
	[tilespmem:s16+$0x11600] =	vst v6;
	v3 =	vmul.f32 $8.000000000e+00, v3;
	v6 =	vld [tilespmem:s16+$0x11670]  }
0x90: {  	v7 =	vld [tilespmem:s2+$0x11600];
	[tilespmem:s16+$0x11610] =	vst v5;
	v0 =	vmul.f32 $8.000000000e+00, v0  }
0x91: {  	v5 =	vld [tilespmem:s2+$0x11610];
	[tilespmem:s16+$0x11620] =	vst v3;
	v1 =	vmul.f32 $8.000000000e+00, v1  }
.Ltmp3:
0x92: {  	v3 =	vld [tilespmem:s2+$0x11620];
	[tilespmem:s16+$0x11630] =	vst v0;
	v2 =	vmul.f32 $8.000000000e+00, v2;
	(pc) =	sbr.rel @p1 .LBB2_9-.Ltmp3, $4  }
0x93: {  	v0 =	vld [tilespmem:s2+$0x11630];
	[tilespmem:s16+$0x11640] =	vst v1;
	v4 =	vmul.f32 $8.000000000e+00, v4  }
0x94: {  	v1 =	vld [tilespmem:s2+$0x11640];
	[tilespmem:s16+$0x11650] =	vst v2;
	v8 =	vmul.f32 $8.000000000e+00, v6  }
0x95: {  	v6 =	vmul.f32 $8.000000000e+00, v7;
	v2 =	vld [tilespmem:s2+$0x11650];
	[tilespmem:s16+$0x11660] =	vst v4  }
0x96: {  	s17 =	sadd.s32 $0x200, s17;
	v5 =	vmul.f32 $8.000000000e+00, v5;
	v4 =	vld [tilespmem:s2+$0x11660];
	[tilespmem:s16+$0x11670] =	vst v8;
	s16 =	smov.u32 s2  }
0x97: {  	[tilespmem:s16+$0x11600] =	vst v6;
	v3 =	vmul.f32 $8.000000000e+00, v3;
	v60 =	vld [tilespmem:s16+$0x11670]  }
0x98: {  	[tilespmem:s16+$0x11610] =	vst v5;
	v0 =	vmul.f32 $8.000000000e+00, v0  }
0x99: {  	[tilespmem:s16+$0x11620] =	vst v3;
	v1 =	vmul.f32 $8.000000000e+00, v1  }
0x9a: {  	[tilespmem:s16+$0x11630] =	vst v0;
	v61 =	vmul.f32 $8.000000000e+00, v2  }
0x9b: {  	[tilespmem:s16+$0x11640] =	vst v1;
	v62 =	vmul.f32 $8.000000000e+00, v4  }
0x9c: {  	[tilespmem:s16+$0x11650] =	vst v61;
	v63 =	vmul.f32 $8.000000000e+00, v60  }
0x9d: {  	[tilespmem:s16+$0x11660] =	vst v62  }
0x9e: {  	s2 =	simm.s32 @!p0 $0x7;
	[tilespmem:s16+$0x11670] =	vst v63  }
0x9f: {  	_ =	swait.ge @!p0 [sflag:s2], $0x3200  }
0xa0: {  	s17 =	simm.s32 @!p0 $0xE400;
	s12 =	sadd.s32 $0x1, s12;
	[sflag:s2] =	ssyncset.done @!p0 $0x0  }
0xa1: {  	s16 =	simm.s32 @!p0 $0x80;
	[sflag:s2] =	ssyncadd.s32 @!p0 $0xFFFFCE00;
	s2 =	sadd.s32 @!p0 $0x600, s15  }
0xa2: {  	[tilespmem:s17], [sflag:$0x3] =	stream.indirect.gather @!p0 [hbm4b:s3+s16], $0x40, s2, s16, $0xb8;
	[tilespmem:$0x14800] =	vst v63  }
0xa3: {  	s2 =	sadd.s32 @!p0 $0x680, s15;
	s15 =	simm.s32 @!p0 $0x48;
	s16 =	simm.s32 @!p0 $0x10400  }
0xa4: {  	[tilespmem:s16], [sflag:$0x3] =	stream.indirect.gather @!p0 [hbm4b:s3+s15], $0x40, s2, s15, $0xb8;
	[tilespmem:$0x14800] =	vst v63  }
0xa5: {  	p0 =	sne.s32 s12, $0x20  }
.Ltmp4:
0xa6: {  	_ = 	snop;
	(pc) =	sbr.rel @p0 .LBB2_2-.Ltmp4, $2  }
0xa7: {  	_ =	sdelay $0x2  }
0xa8: {  	[hbm4b:s13+s24] =	stream.strided.scatter [tilespmem:s22], [sflag:$0x8], $0x3200, s9, s24, $0x38;
	[tilespmem:$0x14800] =	vst v63  }
0xa9: {  	_ =	swait.ge [sflag:s29], $0x3200  }
0xaa: {  	[sflag:s29] =	ssyncset.done $0x0  }
0xab: {  	[sflag:s29] =	ssyncadd.s32 $0xFFFFCE00  }
0xac: {  	_ =	swait.ge [sflag:s30], $0x3200  }
0xad: {  	[sflag:s30] =	ssyncset.done $0x0  }
0xae: {  	s1 =	sadd.s32 $0x1, s1;
	[sflag:s30] =	ssyncadd.s32 $0xFFFFCE00  }
0xaf: {  	p0 =	sne.s32 s1, s7;
	_ =	swait.ge [sflag:s31], $0x3200  }
.Ltmp5:
0xb0: {  	[sflag:s31] =	ssyncset.done $0x0;
	(pc) =	sbr.rel @p0 .LBB2_1-.Ltmp5, $4  }
0xb1: {  	[sflag:s31] =	ssyncadd.s32 $0xFFFFCE00  }
0xb2: {  	_ =	swait.ge [sflag:s0], $0x3200  }
0xb3: {  	[sflag:s0] =	ssyncset.done $0x0  }
0xb4: {  	[sflag:s0] =	ssyncadd.s32 $0xFFFFCE00  }
0xb5: {  	_ =	sfence.sel $0x180000  }
0xb6: {  	[bflag:$0x0] =	sbarrier.arrive $0xFFFF  }
0xb7: {  	_ =	strace $0x90000047  }
0xb8: {  	s0 =	stileid.u32;
	[bflag:$0x2] =	sbarrier.arrive $0xFFFF  }
0xb9: {  	p0 =	sne.s32 s0, $0x0;
	s0 =	rddreg [dreg:$0x2]  }
0xba: {  	s0 =	sadd.s32 @!p0 $0x100000, s0  }
0xbb: {  	[sflag:s0] =	ssyncadd.tile.s32 @!p0 $0x1;
	_ =	shalt  }
.Lfunc_end2:
_tile_overlayer_lowered:
.L_overlay_start_2:
0xbc: {  	(tag) =	ssettag $0x2  }
0xbd: {  	s0 =	rddreg [dreg:$0x0];
	s2 =	stileid.u32  }
0xbe: {  	s1 =	rddreg [dreg:$0x1];
	p0 =	sne.s32 s2, $0x0  }
0xbf: {  	s3 =	rddreg [dreg:$0x2];
	[bflag:$0x3] =	sbarrier.arrive $0xFFFF;
	s2 =	simm.s32 @!p0 $0x1C09  }
0xc0: {  	[timem:s3], [sflag:s2] =	dma.local @!p0 [hbm:s0], s1  }
0xc1: {  	s0 =	simm.s32 @!p0 $0x9  }
0xc2: {  	_ =	swait.ge @!p0 [sflag:s0], s1  }
0xc3: {  	s1 =	ssub.s32 @!p0 $0x0, s1;
	[sflag:s0] =	ssyncset.done @!p0 $0x0  }
0xc4: {  	[sflag:s0] =	ssyncadd.s32 @!p0 s1  }
0xc5: {  	[bflag:$0x3] =	sbarrier.arrive $0xFFFF  }
0xc6: {  	_ =	shalt  }

// kernel: sparse-core-data-format-call.cloned.1.call-start
scs
called_computation_lowered:
.L_overlay_start_0:
0x0: {  	s2 =	sld [smem:$0x3FD9]  }
0x1: {  	s3 =	sld [smem:$0x3FFE];
	_ =	sdelay $0x1  }
0x2: {  	s1 =	srdreg.scid  }
0x3: {  	s0 =	sand.u32 $0x1, s1  }
0x4: {  	s18 =	sshll.u32 s0, $0xA;
	s2 =	sadd.s32 s3, s2  }
0x5: {  	s2 =	sadd.s32 s2, s18  }
0x6: {  	[smem:$0x3FC6] =	sst s2  }
0x7: {  	_ = 	snop  }
0x8: {  	s2 =	sld [smem:$0x3FD0];
	(tm) =	ssettm $0x1  }
0x9: {  	s19 =	sld [smem:$0x3FFB];
	_ =	sdelay $0x3  }
0xa: {  	_ =	strace s19  }
0xb: {  	s3 =	sld [smem:$0x3FFC];
	_ =	sdelay $0x3  }
0xc: {  	_ =	strace s3  }
0xd: {  	s3 =	sld [smem:$0x3FFD];
	_ =	sdelay $0x3  }
0xe: {  	_ =	strace s3  }
0xf: {  	_ =	strace $0x8FFFFFFF  }
0x10: {  	s20 =	sld [smem:$0x3FDB];
	_ =	sdelay $0x1  }
0x11: {  	s4 =	simm.s32 $_scs_section_size  }
0x12: {  	s5 =	simm.s32 $_size__tile_overlayer_lowered;
	s6 =	simm.s32 $_tile_overlayer_lowered  }
0x13: {  	s23 =	simm.s32 $0x1BFF;
	s22 =	sshll.u32 s6, $0x1;
	s3 =	sadd.s32 s4, s20  }
0x14: {  	s7 =	simm.s32 $0x0;
	s21 =	sshll.u32 s5, $0x1;
	s5 =	sadd.s32 s22, s3  }
0x15: {  	[timem:s7], [sflag:s23] =	dma.local [hbm:s5], s21  }
0x16: {  	_ =	swait.ge [sflag:s23], s21  }
0x17: {  	s4 =	ssub.s32 $0x0, s21;
	[sflag:s23] =	ssyncset.done $0x0  }
0x18: {  	[sflag:s23] =	ssyncadd.s32 s4;
	_ =	sdelay $0x1  }
0x19: {  	s24 =	simm.s32 $0x1B8B  }
0x1a: {  	_ =	swait.ge [sflag:s24], $0x1  }
0x1b: {  	[sflag:s24] =	ssyncset.done $0x0  }
0x1c: {  	s26 =	simm.s32 $0x1B8E;
	s25 =	sld [smem:$0x3FFE];
	[sflag:s24] =	ssyncadd.s32 $0xFFFFFFFF  }
0x1d: {  	s27 =	simm.s32 $execute0_lowered;
	[smem:$0x3FD2] =	sst s26  }
0x1e: {  	s5 =	sshll.u32 s27, $0x1;
	_ =	strace $0x80000049;
	[dreg:$0x1] =	wrdreg $0xFFFFFFFF  }
0x1f: {  	s28 =	simm.s32 $_size_execute0_lowered;
	s3 =	sadd.s32 s3, s5;
	[dreg:$0x0] =	wrdreg $0x0  }
0x20: {  	s5 =	sshll.u32 s28, $0x1;
	[dreg:$0x2] =	wrdreg s3  }
0x21: {  	[dreg:$0x3] =	wrdreg s5  }
0x22: {  	[dreg:$0x4] =	wrdreg $0xC0  }
0x23: {  	_ =	task [dreg:s7], $0x5FFFF  }
0x24: {  	[dreg:$0x1] =	wrdreg $0xFFFFFFFF  }
0x25: {  	[dreg:$0x0] =	wrdreg $0x60  }
0x26: {  	[dreg:$0x2] =	wrdreg s25  }
0x27: {  	[dreg:$0x3] =	wrdreg s2  }
0x28: {  	[dreg:$0x4] =	wrdreg $0x9  }
0x29: {  	_ =	task.clear_ibuf [dreg:s7], $0x5FFFF;
	_ =	strace $0x90000049  }
0x2a: {  	s29 =	simm.s32 $0x9;
	_ =	strace $0x8000004B  }
0x2b: {  	_ =	swait.ge [sflag:s29], $0x1  }
0x2c: {  	[sflag:s29] =	ssyncadd.s32 $0xFFFFFFFF  }
0x2d: {  	_ =	strace $0x9000004B  }
0x2e: {  	_ =	sfence  }
0x2f: {  	s30 =	sld [smem:$0x0];
	_ =	sdelay $0x2  }
0x30: {  	s31 =	sshll.u32 s1, $0xD;
	s1 =	sshrl.u32 s1, $0x2  }
0x31: {  	s3 =	sand.u32 $0x4000, s31;
	s1 =	sadd.s32 s1, s30  }
0x32: {  	s0 =	sor.u32 s3, s0;
	s1 =	sshll.u32 s1, $0x11  }
0x33: {  	s0 =	sor.u32 s1, s0  }
0x34: {  	s0 =	sadd.s32 $0x8F2B, s0  }
0x35: {  	[sflag:s0] =	ssyncadd.remote.s32 $0x1  }
0x36: {  	_ =	sfence.sel $0xFFFF  }
0x37: {  	[dreg:$0x0] =	wrdreg $0xFFFFFFFF;
	(pc) =	sbr.abs _section_cstart, $3  }
0x38: {  	[dreg:$0x1] =	wrdreg $0xFFFFFFFF  }
0x39: {  	_ =	task.clear_ibuf [dreg:s7], $0x2FFFF;
	_ =	strace $0x9FFFFFFF  }
0x3a: {  	(tm) =	ssettm $0x7FFFFFFF  }
0x3b: {  	_ =	shalt  }
tec
execute0_lowered:
.L_overlay_start_1:
0x0: {  	(tag) =	ssettag $0x1  }
0x1: {  	s0 =	srdreg.scid  }
0x2: {  	s1 =	sshll.u32 s0, $0x4  }
0x3: {  	s0 =	stileid.u32;
	s1 =	sand.u32 $0x10, s1  }
0x4: {  	s1 =	sor.u32 s0, s1  }
0x5: {  	s6 =	rddreg [dreg:$0x0];
	s4 =	simm.s32 $0x1;
	s2 =	sshll.u32 s1, $0x7  }
0x6: {  	s7 =	simm.s32 $0x2;
	s12 =	simm.s32 $0x0;
	s1 =	ssub.s32 $0x1000, s2  }
0x7: {  	s8 =	simm.s32 $0x8000;
	s13 =	simm.s32 $0x0;
	s3 =	sand.u32 $0xF80, s1  }
0x8: {  	s9 =	simm.s32 $0x0;
	s5 =	sshrl.u32 s1, $0xC;
	p0 =	sne.s32 s3, $0x0  }
.Ltmp0:
0x9: {  	s1 =	rddreg [dreg:$0x2];
	s4 =	simm.s32 @!p0 $0x0;
	(pc) =	sbr.rel .LBB1_1-.Ltmp0, $4  }
0xa: {  	s11 =	simm.s32 $0x0;
	s3 =	rddreg [dreg:$0x1];
	s5 =	sadd.s32 s4, s5  }
0xb: {  	_ =	strace $0x8000004A;
	s4 =	simm.s32 $0x1;
	s5 =	smul.u32 $0xC8, s5  }
0xc: {  	s6 =	sadd.s32 $0xA00, s6;
	s10 =	smov.u32 s2;
	[sflag:s4] =	ssyncpa.u1 $0x0  }
0xd: {  	p0 =	por $0x0, $0x0;
	[sflag:s7] =	ssyncpa.u1 $0x0;
	s7 =	sor.u32 $0x1, s5  }
.LBB1_4:
0xe: {  	s16 =	sshll.u32 s13, $0x3;
	s17 =	sand.u32 $0x78, s13  }
0xf: {  	s30 =	sand.u32 $0x7E00, s13;
	s12 =	sshll.u32 s12, $0xF;
	s16 =	sand.u32 $0xC00, s16  }
0x10: {  	[tilespmem:s15+$0x810 ss:$0x81] =	vst.msk $0xffff, v2;
	s31 =	sand.u32 $0x7, s13;
	s16 =	sor.u32 s17, s16;
	s17 =	sadd.s32 s3, s30  }
0x11: {  	[tilespmem:s15+$0x1020 ss:$0x81] =	vst.msk $0xffff, v0;
	s13 =	sshll.u32 s31, $0x12;
	s12 =	sadd.s32 s12, s17;
	s16 =	sshrl.u32 s16, $0x3  }
0x12: {  	[tilespmem:s15+$0x0 ss:$0x81] =	vst.msk $0xffff, v1;
	s13 =	sor.u32 $0x400, s13;
	s12 =	sadd.s32 s16, s12  }
0x13: {  	[hbm4b:s12+s13] =	stream.strided.scatter [tilespmem:s14], [sflag:$0x2], $0x2000, s8, s13, $0x20;
	[tilespmem:$0x8080] =	vst v63  }
.LBB1_5:
0x14: {  	s14 =	sadd.s32 $0x1, s9  }
0x15: {  	s12 =	sadd.s32 $0x1000, s10;
	s16 =	smov.u32 s10;
	p2 =	sgt.s32 s14, $0xC7  }
0x16: {  	s16 =	smov.u32 @p2 s12  }
0x17: {  	s14 =	simm.s32 @p2 $0x0;
	p2 =	sgt.s32 s16, $0xFFF  }
0x18: {  	s16 =	smov.u32 @p2 s2;
	p2 =	sne.s32 s11, s7  }
.Ltmp1:
0x19: {  	p1 =	slt.u32 s11, $0x2;
	(pc) =	sbr.rel @!p2 .LBB1_6-.Ltmp1, $4  }
0x1a: {  	s15 =	simm.s32 @!p1 $0x2  }
0x1b: {  	s13 =	smov.u32 s10;
	p0 =	por !p0, !p0;
	_ =	swait.ge @!p1 [sflag:s15], $0x2000  }
0x1c: {  	s12 =	smov.u32 s9;
	[sflag:s15] =	ssyncset.done @!p1 $0x0;
	s9 =	smov.u32 s14  }
0x1d: {  	s11 =	sadd.s32 $0x1, s11;
	[sflag:s15] =	ssyncadd.s32 @!p1 $0xFFFFE000;
	s10 =	smov.u32 s16  }
.LBB1_1:
0x1e: {  	p1 =	sge.u32 s11, s5  }
0x1f: {  	s14 =	sand.u32 @!p1 $0x1FFFFFF, s9  }
0x20: {  	s15 =	smulhi.u32 @!p1 $0x147AE15, s14;
	_ =	sdelay $0x1  }
0x21: {  	s15 =	smul.u32 @!p1 $0xC8, s15  }
0x22: {  	s16 =	sxor.u32 @!p1 $0xFFFFFFFF, s11;
	s17 =	smul.u32 @!p1 $0xC80, s10  }
0x23: {  	s31 =	sadd.s32 $0xFFFFFFFF, s11;
	s16 =	sshll.u32 @!p1 s16, $0xD;
	s14 =	ssub.s32 @!p1 s14, s15  }
0x24: {  	s15 =	sand.u32 @!p1 $0x2000, s16;
	s16 =	sadd.s32 @!p1 s6, s17;
	s14 =	sshll.u32 @!p1 s14, $0x4  }
0x25: {  	s17 =	simm.s32 @!p1 $0x6400;
	s14 =	sadd.s32 @!p1 s14, s16;
	s16 =	simm.s32 @!p1 $0x40  }
0x26: {  	[tilespmem:s15], [sflag:$0x1] =	stream.strided.gather @!p1 [hbm4b:s14+s16], $0x2000, s17, s16, $0x38;
	[tilespmem:$0x8080] =	vst v63  }
0x27: {  	p1 =	sge.u32 s31, s5  }
.Ltmp2:
0x28: {  	_ = 	snop;
	(pc) =	sbr.rel @p1 .LBB1_5-.Ltmp2, $1  }
0x29: {  	_ =	sdelay $0x3  }
0x2a: {  	s14 =	simm.s32 $0x1  }
0x2b: {  	_ =	swait.ge [sflag:s4], $0x2000;
	s14 =	simm.s32 @!p0 $0x0  }
0x2c: {  	[sflag:s4] =	ssyncset.done $0x0;
	s15 =	sshll.u32 s14, $0xD  }
0x2d: {  	[sflag:s4] =	ssyncadd.s32 $0xFFFFE000;
	s18 =	sor.u32 $0x20, s15  }
0x2e: {  	s14 =	smul.u32 $0x8100, s14;
	v3 =	vld [tilespmem:s18+$0x10]  }
0x2f: {  	s30 =	sand.u32 $0x1, s11;
	v2 =	vld [tilespmem:s18+$0xFFFFFFF0]  }
0x30: {  	s15 =	smul.u32 $0x8100, s30;
	s14 =	sshrl.u32 s14, $0x2;
	v0 =	vld [tilespmem:s18+$0x0]  }
0x31: {  	v1 =	vld [tilespmem:s18+$0xFFFFFFE0];
	s16 =	sor.u32 $0x4000, s14  }
0x32: {  	s31 =	sshrl.u32 s15, $0x2;
	s15 =	sadd.s32 $0x0, s16  }
0x33: {  	s17 =	simm.s32 $0x4;
	s18 =	sadd.s32 $0x40, s18;
	s14 =	sor.u32 $0x4000, s31;
	[tilespmem:s15+$0x1830 ss:$0x81] =	vst.msk $0xffff, v3  }
.LBB1_3:
0x34: {  	v3 =	vld [tilespmem:s18+$0x10];
	p1 =	sne.s32 s17, $0x1FC;
	[tilespmem:s15+$0x810 ss:$0x81] =	vst.msk $0xffff, v2;
	s19 =	smov.u32 s17;
	s17 =	sadd.s32 $0x4, s17  }
.Ltmp3:
0x35: {  	v2 =	vld [tilespmem:s18+$0xFFFFFFF0];
	[tilespmem:s15+$0x1020 ss:$0x81] =	vst.msk $0xffff, v0;
	(pc) =	sbr.rel @p1 .LBB1_3-.Ltmp3, $4  }
0x36: {  	v0 =	vld [tilespmem:s18+$0x0];
	[tilespmem:s15+$0x0 ss:$0x81] =	vst.msk $0xffff, v1  }
0x37: {  	s15 =	sshra.s32 s19, $0x2;
	v1 =	vld [tilespmem:s18+$0xFFFFFFE0]  }
0x38: {  	s15 =	sadd.s32 s15, s16  }
0x39: {  	s18 =	sadd.s32 $0x40, s18;
	[tilespmem:s15+$0x1830 ss:$0x81] =	vst.msk $0xffff, v3  }
.Ltmp4:
0x3a: {  	_ = 	snop;
	(pc) =	sbr.rel .LBB1_4-.Ltmp4, $1  }
0x3b: {  	_ =	sdelay $0x3  }
.LBB1_6:
0x3c: {  	_ =	sfence.sel $0x180000  }
0x3d: {  	s2 =	simm.s32 $0x1;
	[bflag:$0x0] =	sbarrier.arrive $0xFFFF  }
0x3e: {  	s31 =	simm.s32 $0x2;
	[sflag:s2] =	ssyncpa.u1 $0x1  }
0x3f: {  	[sflag:s31] =	ssyncpa.u1 $0x1  }
0x40: {  	p0 =	sne.s32 s0, $0x0;
	_ =	strace $0x9000004A  }
0x41: {  	s0 =	sadd.s32 @!p0 $0x100000, s1;
	[bflag:$0x2] =	sbarrier.arrive $0xFFFF  }
0x42: {  	[sflag:s0] =	ssyncadd.tile.s32 @!p0 $0x1;
	_ =	shalt  }
.Lfunc_end1:
_tile_overlayer_lowered:
.L_overlay_start_2:
0x43: {  	(tag) =	ssettag $0x2  }
0x44: {  	s0 =	rddreg [dreg:$0x0];
	s2 =	stileid.u32  }
0x45: {  	s1 =	rddreg [dreg:$0x1];
	p0 =	sne.s32 s2, $0x0  }
0x46: {  	s3 =	rddreg [dreg:$0x2];
	[bflag:$0x3] =	sbarrier.arrive $0xFFFF;
	s2 =	simm.s32 @!p0 $0x1C01  }
0x47: {  	[timem:s3], [sflag:s2] =	dma.local @!p0 [hbm:s0], s1  }
0x48: {  	s0 =	simm.s32 @!p0 $0x1  }
0x49: {  	_ =	swait.ge @!p0 [sflag:s0], s1  }
0x4a: {  	s1 =	ssub.s32 @!p0 $0x0, s1;
	[sflag:s0] =	ssyncset.done @!p0 $0x0  }
0x4b: {  	[sflag:s0] =	ssyncadd.s32 @!p0 s1  }
0x4c: {  	[bflag:$0x3] =	sbarrier.arrive $0xFFFF  }
0x4d: {  	_ =	shalt  }

</sc_bundles>
